<compile_context>
chip_gen: v7x
topology: tpu7x:2x2x1
jax: 0.10.2.dev20260603
libtpu: 0.0.44.dev20260713+nightly
codegen_flags: <defaults>
</compile_context>

<pallas_src>
import functools

import jax
import jax.numpy as jnp
from jax import lax
from jax.experimental import pallas as pl
from jax.experimental.pallas import tpu as pltpu
from jax.experimental.pallas import tpu_sc as plsc

TOKEN_VOCAB = 100000
CHAR_VOCAB = 1000
D = 128
B, L = 4096, 50
BL = B * L

NC, NS = 2, 16
NW = NC * NS
PER_W = BL // NW
NBUF = 5
CHUNK = 160
NCHUNK = PER_W // CHUNK
NGROUP = NCHUNK // NBUF


def _transform_body(tok_tab_ref, chr_tab_ref, w_ref, b_ref, tt_ref, ct_ref):
    w1 = w_ref[:, :D]
    tt_ref[...] = lax.dot_general(
        tok_tab_ref[...], w1,
        dimension_numbers=(((1,), (1,)), ((), ())),
        preferred_element_type=jnp.float32,
    )

    @pl.when(pl.program_id(0) == 0)
    def _():
        w2 = w_ref[:, D:]
        ct_ref[...] = lax.dot_general(
            chr_tab_ref[...], w2,
            dimension_numbers=(((1,), (1,)), ((), ())),
            preferred_element_type=jnp.float32,
        ) + b_ref[...]


def _transform_tables(token_table, char_table, W, b):
    blk = 10000
    grid = TOKEN_VOCAB // blk
    return pl.pallas_call(
        _transform_body,
        grid=(grid,),
        in_specs=[
            pl.BlockSpec((blk, D), lambda i: (i, 0)),
            pl.BlockSpec((CHAR_VOCAB, D), lambda i: (0, 0)),
            pl.BlockSpec((D, 2 * D), lambda i: (0, 0)),
            pl.BlockSpec((1, D), lambda i: (0, 0)),
        ],
        out_specs=[
            pl.BlockSpec((blk, D), lambda i: (i, 0)),
            pl.BlockSpec((CHAR_VOCAB, D), lambda i: (0, 0)),
        ],
        out_shape=[
            jax.ShapeDtypeStruct((TOKEN_VOCAB, D), jnp.float32),
            jax.ShapeDtypeStruct((CHAR_VOCAB, D), jnp.float32),
        ],
    )(token_table, char_table, W, b.reshape(1, D))


def _sc_gather_body(tt_hbm, ct_hbm, tok_hbm, chr_hbm, out_hbm,
                    tok_v, chr_v, ct_sh, *scratch):
    rows = scratch[:NBUF]
    tsem = scratch[NBUF:2 * NBUF]
    csem = scratch[2 * NBUF:3 * NBUF]
    osem = scratch[3 * NBUF:4 * NBUF]

    wid = lax.axis_index("s") * NC + lax.axis_index("c")
    base = wid * PER_W

    @pl.when(lax.axis_index("s") == 0)
    def _():
        pltpu.sync_copy(ct_hbm, ct_sh)

    pltpu.sync_copy(tok_hbm.at[pl.ds(base, PER_W)], tok_v)
    pltpu.sync_copy(chr_hbm.at[pl.ds(base, PER_W)], chr_v)
    plsc.subcore_barrier()

    def tt_gather(k, buf, sem):
        off = pl.multiple_of(k * CHUNK, CHUNK)
        pltpu.async_copy(tt_hbm.at[tok_v.at[pl.ds(off, CHUNK)]], buf, sem)

    def ct_add(k, buf, sem):
        off = pl.multiple_of(k * CHUNK, CHUNK)
        pltpu.async_copy(ct_sh.at[chr_v.at[pl.ds(off, CHUNK)]], buf, sem,
                         add=True)

    def scatter(k, buf, sem):
        off = pl.multiple_of(k * CHUNK, CHUNK)
        pltpu.async_copy(buf, out_hbm.at[pl.ds(base + off, CHUNK)], sem)

    def wait_gather(table, idx_v, buf, sem):
        pltpu.make_async_copy(table.at[idx_v.at[pl.ds(0, CHUNK)]], buf, sem).wait()

    def wait_scatter(buf, sem):
        pltpu.make_async_copy(buf, out_hbm.at[pl.ds(base, CHUNK)], sem).wait()

    for b in range(NBUF - 2):
        tt_gather(b, rows[b], tsem[b])

    def group(g, carry):
        for b in range(NBUF):
            k = g * NBUF + b
            bp = (b - 2) % NBUF
            wait_gather(tt_hbm, tok_v, rows[b], tsem[b])
            ct_add(k, rows[b], csem[b])
            wait_gather(ct_sh, chr_v, rows[b], csem[b])
            scatter(k, rows[b], osem[b])
            j = k + NBUF - 2

            @pl.when(jnp.logical_and(j < NCHUNK, k >= 2))
            def _():
                wait_scatter(rows[bp], osem[bp])

            @pl.when(j < NCHUNK)
            def _():
                tt_gather(j, rows[bp], tsem[bp])
        return carry

    lax.fori_loop(0, NGROUP, group, 0)
    for b in range(NBUF):
        wait_scatter(rows[b], osem[b])


@functools.cache
def _sc_gather():
    return pl.kernel(
        _sc_gather_body,
        out_type=jax.ShapeDtypeStruct((BL, D), jnp.float32),
        mesh=plsc.VectorSubcoreMesh(core_axis_name="c", subcore_axis_name="s"),
        scratch_types=[
            pltpu.VMEM((PER_W,), jnp.int32),
            pltpu.VMEM((PER_W,), jnp.int32),
            pltpu.VMEM_SHARED((CHAR_VOCAB, D), jnp.float32),
        ]
        + [pltpu.VMEM((CHUNK, D), jnp.float32)] * NBUF
        + [pltpu.SemaphoreType.DMA] * (3 * NBUF),
    )


def kernel(tokens, chars, token_table, char_table, W, b):
    tt, ct = _transform_tables(token_table, char_table, W, b)
    out = _sc_gather()(tt, ct, tokens.T.reshape(-1), chars.T.reshape(-1))
    return out.reshape(L, B, D).transpose(1, 0, 2)

# --- scband reference (transcript-rebuilt; emitter-appended) ---
"""Pipeline reference for scband-unified-embedding-61357902791251 (READ-ONLY COPY).

The authoritative reference and input builder live on the scoring server;
editing this copy changes nothing except your own understanding.
"""

import jax, jax.numpy as jnp
import numpy as np

TOKEN_VOCAB = 100000
CHAR_VOCAB = 1000
EMBED_DIM = 128
B, L = 4096, 50

def setup_inputs(seed: int = 0) -> dict:
    key = jax.random.key(seed)
    k1, k2, k3, k4, k5, k6 = jax.random.split(key, 6)
    tokens = jax.random.randint(k1, (B, L), 0, TOKEN_VOCAB, dtype=jnp.int64 if jax.config.jax_enable_x64 else jnp.int32)
    chars = jax.random.randint(k2, (B, L), 0, CHAR_VOCAB, dtype=jnp.int64 if jax.config.jax_enable_x64 else jnp.int32)
    token_table = jax.random.normal(k3, (TOKEN_VOCAB, EMBED_DIM), dtype=jnp.float32)
    char_table = jax.random.normal(k4, (CHAR_VOCAB, EMBED_DIM), dtype=jnp.float32)
    # torch nn.Linear(2*embed_dim, embed_dim): weight [out, in], bias [out]
    bound = 1.0 / np.sqrt(2 * EMBED_DIM)
    W = jax.random.uniform(k5, (EMBED_DIM, 2 * EMBED_DIM), minval=-bound, maxval=bound, dtype=jnp.float32)
    b = jax.random.uniform(k6, (EMBED_DIM,), minval=-bound, maxval=bound, dtype=jnp.float32)
    return {"tokens": tokens, "chars": chars, "token_table": token_table, "char_table": char_table, "W": W, "b": b}

def reference(tokens, chars, token_table, char_table, W, b):
    token_embeds = jnp.take(token_table, tokens, axis=0)  # [B, L, D]
    char_embeds = jnp.take(char_table, chars, axis=0)      # [B, L, D]
    combined = jnp.concatenate([token_embeds, char_embeds], axis=-1)  # [B, L, 2D]
    return combined @ W.T + b  # [B, L, D]

if __name__ == "__main__":
    import jax
    _d = setup_inputs()
    print(jax.jit(kernel)(*tuple(_d.values())))

</pallas_src>

<mosaic_0001>
#map = affine_map<(d0, d1) -> (0, 0)>
#map1 = affine_map<(d0, d1) -> (0)>
module attributes {stable_mosaic.version = 14 : i64} {
  func.func @_sc_gather_body(%arg0: i32, %arg1: i32, %arg2: memref<100000x128xf32, #tpu.memory_space<hbm>>, %arg3: memref<1000x128xf32, #tpu.memory_space<hbm>>, %arg4: memref<204800xi32, #tpu.memory_space<hbm>>, %arg5: memref<204800xi32, #tpu.memory_space<hbm>>, %arg6: memref<204800x128xf32, #tpu.memory_space<hbm>>, %arg7: memref<6400xi32, #tpu.memory_space<vmem>>, %arg8: memref<6400xi32, #tpu.memory_space<vmem>>, %arg9: memref<1000x128xf32, #tpu.memory_space<vmem_shared>>, %arg10: memref<160x128xf32, #tpu.memory_space<vmem>>, %arg11: memref<160x128xf32, #tpu.memory_space<vmem>>, %arg12: memref<160x128xf32, #tpu.memory_space<vmem>>, %arg13: memref<160x128xf32, #tpu.memory_space<vmem>>, %arg14: memref<160x128xf32, #tpu.memory_space<vmem>>, %arg15: memref<!tpu.dma_semaphore, #tpu.memory_space<semaphore_mem>>, %arg16: memref<!tpu.dma_semaphore, #tpu.memory_space<semaphore_mem>>, %arg17: memref<!tpu.dma_semaphore, #tpu.memory_space<semaphore_mem>>, %arg18: memref<!tpu.dma_semaphore, #tpu.memory_space<semaphore_mem>>, %arg19: memref<!tpu.dma_semaphore, #tpu.memory_space<semaphore_mem>>, %arg20: memref<!tpu.dma_semaphore, #tpu.memory_space<semaphore_mem>>, %arg21: memref<!tpu.dma_semaphore, #tpu.memory_space<semaphore_mem>>, %arg22: memref<!tpu.dma_semaphore, #tpu.memory_space<semaphore_mem>>, %arg23: memref<!tpu.dma_semaphore, #tpu.memory_space<semaphore_mem>>, %arg24: memref<!tpu.dma_semaphore, #tpu.memory_space<semaphore_mem>>, %arg25: memref<!tpu.dma_semaphore, #tpu.memory_space<semaphore_mem>>, %arg26: memref<!tpu.dma_semaphore, #tpu.memory_space<semaphore_mem>>, %arg27: memref<!tpu.dma_semaphore, #tpu.memory_space<semaphore_mem>>, %arg28: memref<!tpu.dma_semaphore, #tpu.memory_space<semaphore_mem>>, %arg29: memref<!tpu.dma_semaphore, #tpu.memory_space<semaphore_mem>>) attributes {dimension_semantics = [#tpu.dimension_semantics<core_parallel>, #tpu.dimension_semantics<subcore_parallel>], iteration_bounds = array<i64: 2, 16>, scalar_prefetch = 0 : i64, scratch_operands = 23 : i64, tpu.core_type = #tpu.core_type<sc_vector_subcore>, window_params = [{transform_indices = #map}, {transform_indices = #map}, {transform_indices = #map1}, {transform_indices = #map1}, {transform_indices = #map}]} {
    %mul3A = arith.constant 2 : i32
    %mul3A_0 = arith.muli %arg1, %mul3A : i32
    %add3A = arith.addi %mul3A_0, %arg0 : i32
    %mul3A_1 = arith.constant 6400 : i32
    %mul3A_2 = arith.muli %add3A, %mul3A_1 : i32
    %eq3A = arith.constant 0 : i32
    %eq3A_3 = arith.cmpi eq, %arg1, %eq3A : i32
    %convert_element_type3A = arith.extui %eq3A_3 : i1 to i32
    %cond3A = arith.constant 0 : i32
    %cond3A_4 = arith.cmpi ne, %convert_element_type3A, %cond3A : i32
    scf.if %cond3A_4 {
      "tpu.region"() ({
        %run_scoped3A = tpu.sem_alloc : memref<!tpu.dma_semaphore, #tpu.memory_space<semaphore_mem>>
        tpu.enqueue_dma source(%arg3 : memref<1000x128xf32, #tpu.memory_space<hbm>>) target(%arg9 : memref<1000x128xf32, #tpu.memory_space<vmem_shared>>) target_semaphore(%run_scoped3A : memref<!tpu.dma_semaphore, #tpu.memory_space<semaphore_mem>>)
        tpu.wait_dma2 semaphore(%run_scoped3A : memref<!tpu.dma_semaphore, #tpu.memory_space<semaphore_mem>>) src(%arg3 : memref<1000x128xf32, #tpu.memory_space<hbm>>) dst(%arg9 : memref<1000x128xf32, #tpu.memory_space<vmem_shared>>)
        tpu.yield
      }) : () -> ()
    } else {
    }
    "tpu.region"() ({
      %run_scoped3A = tpu.sem_alloc : memref<!tpu.dma_semaphore, #tpu.memory_space<semaphore_mem>>
      %dma_start3A_45 = tpu.memref_slice %arg4[%mul3A_2] : memref<204800xi32, #tpu.memory_space<hbm>> -> memref<6400xi32, #tpu.memory_space<hbm>>
      %dma_start3A_46 = tpu.memref_slice %arg4[%mul3A_2] : memref<204800xi32, #tpu.memory_space<hbm>> -> memref<6400xi32, #tpu.memory_space<hbm>>
      tpu.enqueue_dma source(%dma_start3A_46 : memref<6400xi32, #tpu.memory_space<hbm>>) target(%arg7 : memref<6400xi32, #tpu.memory_space<vmem>>) target_semaphore(%run_scoped3A : memref<!tpu.dma_semaphore, #tpu.memory_space<semaphore_mem>>)
      %dma_wait3A_47 = tpu.memref_slice %arg4[%mul3A_2] : memref<204800xi32, #tpu.memory_space<hbm>> -> memref<6400xi32, #tpu.memory_space<hbm>>
      %dma_wait3A_48 = tpu.memref_slice %arg4[%mul3A_2] : memref<204800xi32, #tpu.memory_space<hbm>> -> memref<6400xi32, #tpu.memory_space<hbm>>
      tpu.wait_dma2 semaphore(%run_scoped3A : memref<!tpu.dma_semaphore, #tpu.memory_space<semaphore_mem>>) src(%dma_wait3A_48 : memref<6400xi32, #tpu.memory_space<hbm>>) dst(%arg7 : memref<6400xi32, #tpu.memory_space<vmem>>)
      tpu.yield
    }) : () -> ()
    "tpu.region"() ({
      %run_scoped3A = tpu.sem_alloc : memref<!tpu.dma_semaphore, #tpu.memory_space<semaphore_mem>>
      %dma_start3A_45 = tpu.memref_slice %arg5[%mul3A_2] : memref<204800xi32, #tpu.memory_space<hbm>> -> memref<6400xi32, #tpu.memory_space<hbm>>
      %dma_start3A_46 = tpu.memref_slice %arg5[%mul3A_2] : memref<204800xi32, #tpu.memory_space<hbm>> -> memref<6400xi32, #tpu.memory_space<hbm>>
      tpu.enqueue_dma source(%dma_start3A_46 : memref<6400xi32, #tpu.memory_space<hbm>>) target(%arg8 : memref<6400xi32, #tpu.memory_space<vmem>>) target_semaphore(%run_scoped3A : memref<!tpu.dma_semaphore, #tpu.memory_space<semaphore_mem>>)
      %dma_wait3A_47 = tpu.memref_slice %arg5[%mul3A_2] : memref<204800xi32, #tpu.memory_space<hbm>> -> memref<6400xi32, #tpu.memory_space<hbm>>
      %dma_wait3A_48 = tpu.memref_slice %arg5[%mul3A_2] : memref<204800xi32, #tpu.memory_space<hbm>> -> memref<6400xi32, #tpu.memory_space<hbm>>
      tpu.wait_dma2 semaphore(%run_scoped3A : memref<!tpu.dma_semaphore, #tpu.memory_space<semaphore_mem>>) src(%dma_wait3A_48 : memref<6400xi32, #tpu.memory_space<hbm>>) dst(%arg8 : memref<6400xi32, #tpu.memory_space<vmem>>)
      tpu.yield
    }) : () -> ()
    %barrier3A = arith.constant 0 : index
    tpu.barrier barrier_id(%barrier3A)
    %multiple_of3A = arith.constant 0 : i32
    %multiple_of3A_5 = tpu.assume_multiple %multiple_of3A, 160 : i32
    %dma_start3A = tpu.memref_slice %arg7[%multiple_of3A_5] : memref<6400xi32, #tpu.memory_space<vmem>> -> memref<160xi32, #tpu.memory_space<vmem>>
    %dma_start3A_6 = arith.constant 0 : i32
    %dma_start3A_7 = arith.constant 0 : i32
    %dma_start3A_8 = tpu.memref_slice %arg2[%dma_start3A_6, %dma_start3A_7] : memref<100000x128xf32, #tpu.memory_space<hbm>> -> memref<100000x128xf32, #tpu.memory_space<hbm>>
    tpu.enqueue_indirect_dma source(%dma_start3A_8 : memref<100000x128xf32, #tpu.memory_space<hbm>>) target(%arg10 : memref<160x128xf32, #tpu.memory_space<vmem>>) offsets(%dma_start3A : memref<160xi32, #tpu.memory_space<vmem>>) semaphore(%arg15 : memref<!tpu.dma_semaphore, #tpu.memory_space<semaphore_mem>>)
    %multiple_of3A_9 = arith.constant 160 : i32
    %multiple_of3A_10 = tpu.assume_multiple %multiple_of3A_9, 160 : i32
    %dma_start3A_11 = tpu.memref_slice %arg7[%multiple_of3A_10] : memref<6400xi32, #tpu.memory_space<vmem>> -> memref<160xi32, #tpu.memory_space<vmem>>
    %dma_start3A_12 = arith.constant 0 : i32
    %dma_start3A_13 = arith.constant 0 : i32
    %dma_start3A_14 = tpu.memref_slice %arg2[%dma_start3A_12, %dma_start3A_13] : memref<100000x128xf32, #tpu.memory_space<hbm>> -> memref<100000x128xf32, #tpu.memory_space<hbm>>
    tpu.enqueue_indirect_dma source(%dma_start3A_14 : memref<100000x128xf32, #tpu.memory_space<hbm>>) target(%arg11 : memref<160x128xf32, #tpu.memory_space<vmem>>) offsets(%dma_start3A_11 : memref<160xi32, #tpu.memory_space<vmem>>) semaphore(%arg16 : memref<!tpu.dma_semaphore, #tpu.memory_space<semaphore_mem>>)
    %multiple_of3A_15 = arith.constant 320 : i32
    %multiple_of3A_16 = tpu.assume_multiple %multiple_of3A_15, 160 : i32
    %dma_start3A_17 = tpu.memref_slice %arg7[%multiple_of3A_16] : memref<6400xi32, #tpu.memory_space<vmem>> -> memref<160xi32, #tpu.memory_space<vmem>>
    %dma_start3A_18 = arith.constant 0 : i32
    %dma_start3A_19 = arith.constant 0 : i32
    %dma_start3A_20 = tpu.memref_slice %arg2[%dma_start3A_18, %dma_start3A_19] : memref<100000x128xf32, #tpu.memory_space<hbm>> -> memref<100000x128xf32, #tpu.memory_space<hbm>>
    tpu.enqueue_indirect_dma source(%dma_start3A_20 : memref<100000x128xf32, #tpu.memory_space<hbm>>) target(%arg12 : memref<160x128xf32, #tpu.memory_space<vmem>>) offsets(%dma_start3A_17 : memref<160xi32, #tpu.memory_space<vmem>>) semaphore(%arg17 : memref<!tpu.dma_semaphore, #tpu.memory_space<semaphore_mem>>)
    %scan3A = arith.constant 0 : i32
    %scan3A_21 = arith.constant 0 : i32
    %scan3A_22 = arith.constant 8 : i32
    %scan3A_23 = arith.addi %scan3A_21, %scan3A_22 : i32
    %scan3A_24 = arith.constant 1 : i32
    scf.for %scan3A_45 = %scan3A_21 to %scan3A_23 step %scan3A_24  : i32 {
      %mul3A_46 = arith.constant 5 : i32
      %mul3A_47 = arith.muli %scan3A_45, %mul3A_46 : i32
      %add3A_48 = arith.constant 0 : i32
      %add3A_49 = arith.addi %mul3A_47, %add3A_48 : i32
      %dma_wait3A_50 = arith.constant 0 : i32
      %dma_wait3A_51 = tpu.memref_slice %arg7[%dma_wait3A_50] : memref<6400xi32, #tpu.memory_space<vmem>> -> memref<160xi32, #tpu.memory_space<vmem>>
      %dma_wait3A_52 = arith.constant 0 : i32
      %dma_wait3A_53 = arith.constant 0 : i32
      %dma_wait3A_54 = tpu.memref_slice %arg2[%dma_wait3A_52, %dma_wait3A_53] : memref<100000x128xf32, #tpu.memory_space<hbm>> -> memref<100000x128xf32, #tpu.memory_space<hbm>>
      tpu.wait_indirect_dma semaphore(%arg15 : memref<!tpu.dma_semaphore, #tpu.memory_space<semaphore_mem>>) src(%dma_wait3A_54 : memref<100000x128xf32, #tpu.memory_space<hbm>>) dst(%arg10 : memref<160x128xf32, #tpu.memory_space<vmem>>)
      %mul3A_55 = arith.constant 160 : i32
      %mul3A_56 = arith.muli %add3A_49, %mul3A_55 : i32
      %multiple_of3A_57 = tpu.assume_multiple %mul3A_56, 160 : i32
      %dma_start3A_58 = tpu.memref_slice %arg8[%multiple_of3A_57] : memref<6400xi32, #tpu.memory_space<vmem>> -> memref<160xi32, #tpu.memory_space<vmem>>
      %dma_start3A_59 = arith.constant 0 : i32
      %dma_start3A_60 = arith.constant 0 : i32
      %dma_start3A_61 = tpu.memref_slice %arg9[%dma_start3A_59, %dma_start3A_60] : memref<1000x128xf32, #tpu.memory_space<vmem_shared>> -> memref<1000x128xf32, #tpu.memory_space<vmem_shared>>
      tpu.enqueue_indirect_dma source(%dma_start3A_61 : memref<1000x128xf32, #tpu.memory_space<vmem_shared>>) target(%arg10 : memref<160x128xf32, #tpu.memory_space<vmem>>) offsets(%dma_start3A_58 : memref<160xi32, #tpu.memory_space<vmem>>) semaphore(%arg20 : memref<!tpu.dma_semaphore, #tpu.memory_space<semaphore_mem>>) {add = true}
      %dma_wait3A_62 = arith.constant 0 : i32
      %dma_wait3A_63 = tpu.memref_slice %arg8[%dma_wait3A_62] : memref<6400xi32, #tpu.memory_space<vmem>> -> memref<160xi32, #tpu.memory_space<vmem>>
      %dma_wait3A_64 = arith.constant 0 : i32
      %dma_wait3A_65 = arith.constant 0 : i32
      %dma_wait3A_66 = tpu.memref_slice %arg9[%dma_wait3A_64, %dma_wait3A_65] : memref<1000x128xf32, #tpu.memory_space<vmem_shared>> -> memref<1000x128xf32, #tpu.memory_space<vmem_shared>>
      tpu.wait_indirect_dma semaphore(%arg20 : memref<!tpu.dma_semaphore, #tpu.memory_space<semaphore_mem>>) src(%dma_wait3A_66 : memref<1000x128xf32, #tpu.memory_space<vmem_shared>>) dst(%arg10 : memref<160x128xf32, #tpu.memory_space<vmem>>)
      %mul3A_67 = arith.constant 160 : i32
      %mul3A_68 = arith.muli %add3A_49, %mul3A_67 : i32
      %multiple_of3A_69 = tpu.assume_multiple %mul3A_68, 160 : i32
      %add3A_70 = arith.addi %mul3A_2, %multiple_of3A_69 : i32
      %dma_start3A_71 = arith.constant 0 : i32
      %dma_start3A_72 = tpu.memref_slice %arg6[%add3A_70, %dma_start3A_71] : memref<204800x128xf32, #tpu.memory_space<hbm>> -> memref<160x128xf32, #tpu.memory_space<hbm>>
      %dma_start3A_73 = arith.constant 0 : i32
      %dma_start3A_74 = tpu.memref_slice %arg6[%add3A_70, %dma_start3A_73] : memref<204800x128xf32, #tpu.memory_space<hbm>> -> memref<160x128xf32, #tpu.memory_space<hbm>>
      tpu.enqueue_dma source(%arg10 : memref<160x128xf32, #tpu.memory_space<vmem>>) target(%dma_start3A_74 : memref<160x128xf32, #tpu.memory_space<hbm>>) target_semaphore(%arg25 : memref<!tpu.dma_semaphore, #tpu.memory_space<semaphore_mem>>)
      %add3A_75 = arith.constant 5 : i32
      %add3A_76 = arith.addi %add3A_49, %add3A_75 : i32
      %sub3A = arith.constant 2 : i32
      %sub3A_77 = arith.subi %add3A_76, %sub3A : i32
      %lt3A = arith.constant 40 : i32
      %lt3A_78 = arith.cmpi slt, %sub3A_77, %lt3A : i32
      %ge3A = arith.constant 2 : i32
      %ge3A_79 = arith.cmpi sge, %add3A_49, %ge3A : i32
      %and3A = arith.andi %lt3A_78, %ge3A_79 : i1
      %convert_element_type3A_80 = arith.extui %and3A : i1 to i32
      %cond3A_81 = arith.constant 0 : i32
      %cond3A_82 = arith.cmpi ne, %convert_element_type3A_80, %cond3A_81 : i32
      scf.if %cond3A_82 {
        %dma_wait3A_272 = arith.constant 0 : i32
        %dma_wait3A_273 = tpu.memref_slice %arg6[%mul3A_2, %dma_wait3A_272] : memref<204800x128xf32, #tpu.memory_space<hbm>> -> memref<160x128xf32, #tpu.memory_space<hbm>>
        %dma_wait3A_274 = arith.constant 0 : i32
        %dma_wait3A_275 = tpu.memref_slice %arg6[%mul3A_2, %dma_wait3A_274] : memref<204800x128xf32, #tpu.memory_space<hbm>> -> memref<160x128xf32, #tpu.memory_space<hbm>>
        tpu.wait_dma2 semaphore(%arg28 : memref<!tpu.dma_semaphore, #tpu.memory_space<semaphore_mem>>) src(%arg13 : memref<160x128xf32, #tpu.memory_space<vmem>>) dst(%dma_wait3A_275 : memref<160x128xf32, #tpu.memory_space<hbm>>)
      } else {
      }
      %lt3A_83 = arith.constant 40 : i32
      %lt3A_84 = arith.cmpi slt, %sub3A_77, %lt3A_83 : i32
      %convert_element_type3A_85 = arith.extui %lt3A_84 : i1 to i32
      %cond3A_86 = arith.constant 0 : i32
      %cond3A_87 = arith.cmpi ne, %convert_element_type3A_85, %cond3A_86 : i32
      scf.if %cond3A_87 {
        %mul3A_272 = arith.constant 160 : i32
        %mul3A_273 = arith.muli %sub3A_77, %mul3A_272 : i32
        %multiple_of3A_274 = tpu.assume_multiple %mul3A_273, 160 : i32
        %dma_start3A_275 = tpu.memref_slice %arg7[%multiple_of3A_274] : memref<6400xi32, #tpu.memory_space<vmem>> -> memref<160xi32, #tpu.memory_space<vmem>>
        %dma_start3A_276 = arith.constant 0 : i32
        %dma_start3A_277 = arith.constant 0 : i32
        %dma_start3A_278 = tpu.memref_slice %arg2[%dma_start3A_276, %dma_start3A_277] : memref<100000x128xf32, #tpu.memory_space<hbm>> -> memref<100000x128xf32, #tpu.memory_space<hbm>>
        tpu.enqueue_indirect_dma source(%dma_start3A_278 : memref<100000x128xf32, #tpu.memory_space<hbm>>) target(%arg13 : memref<160x128xf32, #tpu.memory_space<vmem>>) offsets(%dma_start3A_275 : memref<160xi32, #tpu.memory_space<vmem>>) semaphore(%arg18 : memref<!tpu.dma_semaphore, #tpu.memory_space<semaphore_mem>>)
      } else {
      }
      %mul3A_88 = arith.constant 5 : i32
      %mul3A_89 = arith.muli %scan3A_45, %mul3A_88 : i32
      %add3A_90 = arith.constant 1 : i32
      %add3A_91 = arith.addi %mul3A_89, %add3A_90 : i32
      %dma_wait3A_92 = arith.constant 0 : i32
      %dma_wait3A_93 = tpu.memref_slice %arg7[%dma_wait3A_92] : memref<6400xi32, #tpu.memory_space<vmem>> -> memref<160xi32, #tpu.memory_space<vmem>>
      %dma_wait3A_94 = arith.constant 0 : i32
      %dma_wait3A_95 = arith.constant 0 : i32
      %dma_wait3A_96 = tpu.memref_slice %arg2[%dma_wait3A_94, %dma_wait3A_95] : memref<100000x128xf32, #tpu.memory_space<hbm>> -> memref<100000x128xf32, #tpu.memory_space<hbm>>
      tpu.wait_indirect_dma semaphore(%arg16 : memref<!tpu.dma_semaphore, #tpu.memory_space<semaphore_mem>>) src(%dma_wait3A_96 : memref<100000x128xf32, #tpu.memory_space<hbm>>) dst(%arg11 : memref<160x128xf32, #tpu.memory_space<vmem>>)
      %mul3A_97 = arith.constant 160 : i32
      %mul3A_98 = arith.muli %add3A_91, %mul3A_97 : i32
      %multiple_of3A_99 = tpu.assume_multiple %mul3A_98, 160 : i32
      %dma_start3A_100 = tpu.memref_slice %arg8[%multiple_of3A_99] : memref<6400xi32, #tpu.memory_space<vmem>> -> memref<160xi32, #tpu.memory_space<vmem>>
      %dma_start3A_101 = arith.constant 0 : i32
      %dma_start3A_102 = arith.constant 0 : i32
      %dma_start3A_103 = tpu.memref_slice %arg9[%dma_start3A_101, %dma_start3A_102] : memref<1000x128xf32, #tpu.memory_space<vmem_shared>> -> memref<1000x128xf32, #tpu.memory_space<vmem_shared>>
      tpu.enqueue_indirect_dma source(%dma_start3A_103 : memref<1000x128xf32, #tpu.memory_space<vmem_shared>>) target(%arg11 : memref<160x128xf32, #tpu.memory_space<vmem>>) offsets(%dma_start3A_100 : memref<160xi32, #tpu.memory_space<vmem>>) semaphore(%arg21 : memref<!tpu.dma_semaphore, #tpu.memory_space<semaphore_mem>>) {add = true}
      %dma_wait3A_104 = arith.constant 0 : i32
      %dma_wait3A_105 = tpu.memref_slice %arg8[%dma_wait3A_104] : memref<6400xi32, #tpu.memory_space<vmem>> -> memref<160xi32, #tpu.memory_space<vmem>>
      %dma_wait3A_106 = arith.constant 0 : i32
      %dma_wait3A_107 = arith.constant 0 : i32
      %dma_wait3A_108 = tpu.memref_slice %arg9[%dma_wait3A_106, %dma_wait3A_107] : memref<1000x128xf32, #tpu.memory_space<vmem_shared>> -> memref<1000x128xf32, #tpu.memory_space<vmem_shared>>
      tpu.wait_indirect_dma semaphore(%arg21 : memref<!tpu.dma_semaphore, #tpu.memory_space<semaphore_mem>>) src(%dma_wait3A_108 : memref<1000x128xf32, #tpu.memory_space<vmem_shared>>) dst(%arg11 : memref<160x128xf32, #tpu.memory_space<vmem>>)
      %mul3A_109 = arith.constant 160 : i32
      %mul3A_110 = arith.muli %add3A_91, %mul3A_109 : i32
      %multiple_of3A_111 = tpu.assume_multiple %mul3A_110, 160 : i32
      %add3A_112 = arith.addi %mul3A_2, %multiple_of3A_111 : i32
      %dma_start3A_113 = arith.constant 0 : i32
      %dma_start3A_114 = tpu.memref_slice %arg6[%add3A_112, %dma_start3A_113] : memref<204800x128xf32, #tpu.memory_space<hbm>> -> memref<160x128xf32, #tpu.memory_space<hbm>>
      %dma_start3A_115 = arith.constant 0 : i32
      %dma_start3A_116 = tpu.memref_slice %arg6[%add3A_112, %dma_start3A_115] : memref<204800x128xf32, #tpu.memory_space<hbm>> -> memref<160x128xf32, #tpu.memory_space<hbm>>
      tpu.enqueue_dma source(%arg11 : memref<160x128xf32, #tpu.memory_space<vmem>>) target(%dma_start3A_116 : memref<160x128xf32, #tpu.memory_space<hbm>>) target_semaphore(%arg26 : memref<!tpu.dma_semaphore, #tpu.memory_space<semaphore_mem>>)
      %add3A_117 = arith.constant 5 : i32
      %add3A_118 = arith.addi %add3A_91, %add3A_117 : i32
      %sub3A_119 = arith.constant 2 : i32
      %sub3A_120 = arith.subi %add3A_118, %sub3A_119 : i32
      %lt3A_121 = arith.constant 40 : i32
      %lt3A_122 = arith.cmpi slt, %sub3A_120, %lt3A_121 : i32
      %ge3A_123 = arith.constant 2 : i32
      %ge3A_124 = arith.cmpi sge, %add3A_91, %ge3A_123 : i32
      %and3A_125 = arith.andi %lt3A_122, %ge3A_124 : i1
      %convert_element_type3A_126 = arith.extui %and3A_125 : i1 to i32
      %cond3A_127 = arith.constant 0 : i32
      %cond3A_128 = arith.cmpi ne, %convert_element_type3A_126, %cond3A_127 : i32
      scf.if %cond3A_128 {
        %dma_wait3A_272 = arith.constant 0 : i32
        %dma_wait3A_273 = tpu.memref_slice %arg6[%mul3A_2, %dma_wait3A_272] : memref<204800x128xf32, #tpu.memory_space<hbm>> -> memref<160x128xf32, #tpu.memory_space<hbm>>
        %dma_wait3A_274 = arith.constant 0 : i32
        %dma_wait3A_275 = tpu.memref_slice %arg6[%mul3A_2, %dma_wait3A_274] : memref<204800x128xf32, #tpu.memory_space<hbm>> -> memref<160x128xf32, #tpu.memory_space<hbm>>
        tpu.wait_dma2 semaphore(%arg29 : memref<!tpu.dma_semaphore, #tpu.memory_space<semaphore_mem>>) src(%arg14 : memref<160x128xf32, #tpu.memory_space<vmem>>) dst(%dma_wait3A_275 : memref<160x128xf32, #tpu.memory_space<hbm>>)
      } else {
      }
      %lt3A_129 = arith.constant 40 : i32
      %lt3A_130 = arith.cmpi slt, %sub3A_120, %lt3A_129 : i32
      %convert_element_type3A_131 = arith.extui %lt3A_130 : i1 to i32
      %cond3A_132 = arith.constant 0 : i32
      %cond3A_133 = arith.cmpi ne, %convert_element_type3A_131, %cond3A_132 : i32
      scf.if %cond3A_133 {
        %mul3A_272 = arith.constant 160 : i32
        %mul3A_273 = arith.muli %sub3A_120, %mul3A_272 : i32
        %multiple_of3A_274 = tpu.assume_multiple %mul3A_273, 160 : i32
        %dma_start3A_275 = tpu.memref_slice %arg7[%multiple_of3A_274] : memref<6400xi32, #tpu.memory_space<vmem>> -> memref<160xi32, #tpu.memory_space<vmem>>
        %dma_start3A_276 = arith.constant 0 : i32
        %dma_start3A_277 = arith.constant 0 : i32
        %dma_start3A_278 = tpu.memref_slice %arg2[%dma_start3A_276, %dma_start3A_277] : memref<100000x128xf32, #tpu.memory_space<hbm>> -> memref<100000x128xf32, #tpu.memory_space<hbm>>
        tpu.enqueue_indirect_dma source(%dma_start3A_278 : memref<100000x128xf32, #tpu.memory_space<hbm>>) target(%arg14 : memref<160x128xf32, #tpu.memory_space<vmem>>) offsets(%dma_start3A_275 : memref<160xi32, #tpu.memory_space<vmem>>) semaphore(%arg19 : memref<!tpu.dma_semaphore, #tpu.memory_space<semaphore_mem>>)
      } else {
      }
      %mul3A_134 = arith.constant 5 : i32
      %mul3A_135 = arith.muli %scan3A_45, %mul3A_134 : i32
      %add3A_136 = arith.constant 2 : i32
      %add3A_137 = arith.addi %mul3A_135, %add3A_136 : i32
      %dma_wait3A_138 = arith.constant 0 : i32
      %dma_wait3A_139 = tpu.memref_slice %arg7[%dma_wait3A_138] : memref<6400xi32, #tpu.memory_space<vmem>> -> memref<160xi32, #tpu.memory_space<vmem>>
      %dma_wait3A_140 = arith.constant 0 : i32
      %dma_wait3A_141 = arith.constant 0 : i32
      %dma_wait3A_142 = tpu.memref_slice %arg2[%dma_wait3A_140, %dma_wait3A_141] : memref<100000x128xf32, #tpu.memory_space<hbm>> -> memref<100000x128xf32, #tpu.memory_space<hbm>>
      tpu.wait_indirect_dma semaphore(%arg17 : memref<!tpu.dma_semaphore, #tpu.memory_space<semaphore_mem>>) src(%dma_wait3A_142 : memref<100000x128xf32, #tpu.memory_space<hbm>>) dst(%arg12 : memref<160x128xf32, #tpu.memory_space<vmem>>)
      %mul3A_143 = arith.constant 160 : i32
      %mul3A_144 = arith.muli %add3A_137, %mul3A_143 : i32
      %multiple_of3A_145 = tpu.assume_multiple %mul3A_144, 160 : i32
      %dma_start3A_146 = tpu.memref_slice %arg8[%multiple_of3A_145] : memref<6400xi32, #tpu.memory_space<vmem>> -> memref<160xi32, #tpu.memory_space<vmem>>
      %dma_start3A_147 = arith.constant 0 : i32
      %dma_start3A_148 = arith.constant 0 : i32
      %dma_start3A_149 = tpu.memref_slice %arg9[%dma_start3A_147, %dma_start3A_148] : memref<1000x128xf32, #tpu.memory_space<vmem_shared>> -> memref<1000x128xf32, #tpu.memory_space<vmem_shared>>
      tpu.enqueue_indirect_dma source(%dma_start3A_149 : memref<1000x128xf32, #tpu.memory_space<vmem_shared>>) target(%arg12 : memref<160x128xf32, #tpu.memory_space<vmem>>) offsets(%dma_start3A_146 : memref<160xi32, #tpu.memory_space<vmem>>) semaphore(%arg22 : memref<!tpu.dma_semaphore, #tpu.memory_space<semaphore_mem>>) {add = true}
      %dma_wait3A_150 = arith.constant 0 : i32
      %dma_wait3A_151 = tpu.memref_slice %arg8[%dma_wait3A_150] : memref<6400xi32, #tpu.memory_space<vmem>> -> memref<160xi32, #tpu.memory_space<vmem>>
      %dma_wait3A_152 = arith.constant 0 : i32
      %dma_wait3A_153 = arith.constant 0 : i32
      %dma_wait3A_154 = tpu.memref_slice %arg9[%dma_wait3A_152, %dma_wait3A_153] : memref<1000x128xf32, #tpu.memory_space<vmem_shared>> -> memref<1000x128xf32, #tpu.memory_space<vmem_shared>>
      tpu.wait_indirect_dma semaphore(%arg22 : memref<!tpu.dma_semaphore, #tpu.memory_space<semaphore_mem>>) src(%dma_wait3A_154 : memref<1000x128xf32, #tpu.memory_space<vmem_shared>>) dst(%arg12 : memref<160x128xf32, #tpu.memory_space<vmem>>)
      %mul3A_155 = arith.constant 160 : i32
      %mul3A_156 = arith.muli %add3A_137, %mul3A_155 : i32
      %multiple_of3A_157 = tpu.assume_multiple %mul3A_156, 160 : i32
      %add3A_158 = arith.addi %mul3A_2, %multiple_of3A_157 : i32
      %dma_start3A_159 = arith.constant 0 : i32
      %dma_start3A_160 = tpu.memref_slice %arg6[%add3A_158, %dma_start3A_159] : memref<204800x128xf32, #tpu.memory_space<hbm>> -> memref<160x128xf32, #tpu.memory_space<hbm>>
      %dma_start3A_161 = arith.constant 0 : i32
      %dma_start3A_162 = tpu.memref_slice %arg6[%add3A_158, %dma_start3A_161] : memref<204800x128xf32, #tpu.memory_space<hbm>> -> memref<160x128xf32, #tpu.memory_space<hbm>>
      tpu.enqueue_dma source(%arg12 : memref<160x128xf32, #tpu.memory_space<vmem>>) target(%dma_start3A_162 : memref<160x128xf32, #tpu.memory_space<hbm>>) target_semaphore(%arg27 : memref<!tpu.dma_semaphore, #tpu.memory_space<semaphore_mem>>)
      %add3A_163 = arith.constant 5 : i32
      %add3A_164 = arith.addi %add3A_137, %add3A_163 : i32
      %sub3A_165 = arith.constant 2 : i32
      %sub3A_166 = arith.subi %add3A_164, %sub3A_165 : i32
      %lt3A_167 = arith.constant 40 : i32
      %lt3A_168 = arith.cmpi slt, %sub3A_166, %lt3A_167 : i32
      %ge3A_169 = arith.constant 2 : i32
      %ge3A_170 = arith.cmpi sge, %add3A_137, %ge3A_169 : i32
      %and3A_171 = arith.andi %lt3A_168, %ge3A_170 : i1
      %convert_element_type3A_172 = arith.extui %and3A_171 : i1 to i32
      %cond3A_173 = arith.constant 0 : i32
      %cond3A_174 = arith.cmpi ne, %convert_element_type3A_172, %cond3A_173 : i32
      scf.if %cond3A_174 {
        %dma_wait3A_272 = arith.constant 0 : i32
        %dma_wait3A_273 = tpu.memref_slice %arg6[%mul3A_2, %dma_wait3A_272] : memref<204800x128xf32, #tpu.memory_space<hbm>> -> memref<160x128xf32, #tpu.memory_space<hbm>>
        %dma_wait3A_274 = arith.constant 0 : i32
        %dma_wait3A_275 = tpu.memref_slice %arg6[%mul3A_2, %dma_wait3A_274] : memref<204800x128xf32, #tpu.memory_space<hbm>> -> memref<160x128xf32, #tpu.memory_space<hbm>>
        tpu.wait_dma2 semaphore(%arg25 : memref<!tpu.dma_semaphore, #tpu.memory_space<semaphore_mem>>) src(%arg10 : memref<160x128xf32, #tpu.memory_space<vmem>>) dst(%dma_wait3A_275 : memref<160x128xf32, #tpu.memory_space<hbm>>)
      } else {
      }
      %lt3A_175 = arith.constant 40 : i32
      %lt3A_176 = arith.cmpi slt, %sub3A_166, %lt3A_175 : i32
      %convert_element_type3A_177 = arith.extui %lt3A_176 : i1 to i32
      %cond3A_178 = arith.constant 0 : i32
      %cond3A_179 = arith.cmpi ne, %convert_element_type3A_177, %cond3A_178 : i32
      scf.if %cond3A_179 {
        %mul3A_272 = arith.constant 160 : i32
        %mul3A_273 = arith.muli %sub3A_166, %mul3A_272 : i32
        %multiple_of3A_274 = tpu.assume_multiple %mul3A_273, 160 : i32
        %dma_start3A_275 = tpu.memref_slice %arg7[%multiple_of3A_274] : memref<6400xi32, #tpu.memory_space<vmem>> -> memref<160xi32, #tpu.memory_space<vmem>>
        %dma_start3A_276 = arith.constant 0 : i32
        %dma_start3A_277 = arith.constant 0 : i32
        %dma_start3A_278 = tpu.memref_slice %arg2[%dma_start3A_276, %dma_start3A_277] : memref<100000x128xf32, #tpu.memory_space<hbm>> -> memref<100000x128xf32, #tpu.memory_space<hbm>>
        tpu.enqueue_indirect_dma source(%dma_start3A_278 : memref<100000x128xf32, #tpu.memory_space<hbm>>) target(%arg10 : memref<160x128xf32, #tpu.memory_space<vmem>>) offsets(%dma_start3A_275 : memref<160xi32, #tpu.memory_space<vmem>>) semaphore(%arg15 : memref<!tpu.dma_semaphore, #tpu.memory_space<semaphore_mem>>)
      } else {
      }
      %mul3A_180 = arith.constant 5 : i32
      %mul3A_181 = arith.muli %scan3A_45, %mul3A_180 : i32
      %add3A_182 = arith.constant 3 : i32
      %add3A_183 = arith.addi %mul3A_181, %add3A_182 : i32
      %dma_wait3A_184 = arith.constant 0 : i32
      %dma_wait3A_185 = tpu.memref_slice %arg7[%dma_wait3A_184] : memref<6400xi32, #tpu.memory_space<vmem>> -> memref<160xi32, #tpu.memory_space<vmem>>
      %dma_wait3A_186 = arith.constant 0 : i32
      %dma_wait3A_187 = arith.constant 0 : i32
      %dma_wait3A_188 = tpu.memref_slice %arg2[%dma_wait3A_186, %dma_wait3A_187] : memref<100000x128xf32, #tpu.memory_space<hbm>> -> memref<100000x128xf32, #tpu.memory_space<hbm>>
      tpu.wait_indirect_dma semaphore(%arg18 : memref<!tpu.dma_semaphore, #tpu.memory_space<semaphore_mem>>) src(%dma_wait3A_188 : memref<100000x128xf32, #tpu.memory_space<hbm>>) dst(%arg13 : memref<160x128xf32, #tpu.memory_space<vmem>>)
      %mul3A_189 = arith.constant 160 : i32
      %mul3A_190 = arith.muli %add3A_183, %mul3A_189 : i32
      %multiple_of3A_191 = tpu.assume_multiple %mul3A_190, 160 : i32
      %dma_start3A_192 = tpu.memref_slice %arg8[%multiple_of3A_191] : memref<6400xi32, #tpu.memory_space<vmem>> -> memref<160xi32, #tpu.memory_space<vmem>>
      %dma_start3A_193 = arith.constant 0 : i32
      %dma_start3A_194 = arith.constant 0 : i32
      %dma_start3A_195 = tpu.memref_slice %arg9[%dma_start3A_193, %dma_start3A_194] : memref<1000x128xf32, #tpu.memory_space<vmem_shared>> -> memref<1000x128xf32, #tpu.memory_space<vmem_shared>>
      tpu.enqueue_indirect_dma source(%dma_start3A_195 : memref<1000x128xf32, #tpu.memory_space<vmem_shared>>) target(%arg13 : memref<160x128xf32, #tpu.memory_space<vmem>>) offsets(%dma_start3A_192 : memref<160xi32, #tpu.memory_space<vmem>>) semaphore(%arg23 : memref<!tpu.dma_semaphore, #tpu.memory_space<semaphore_mem>>) {add = true}
      %dma_wait3A_196 = arith.constant 0 : i32
      %dma_wait3A_197 = tpu.memref_slice %arg8[%dma_wait3A_196] : memref<6400xi32, #tpu.memory_space<vmem>> -> memref<160xi32, #tpu.memory_space<vmem>>
      %dma_wait3A_198 = arith.constant 0 : i32
      %dma_wait3A_199 = arith.constant 0 : i32
      %dma_wait3A_200 = tpu.memref_slice %arg9[%dma_wait3A_198, %dma_wait3A_199] : memref<1000x128xf32, #tpu.memory_space<vmem_shared>> -> memref<1000x128xf32, #tpu.memory_space<vmem_shared>>
      tpu.wait_indirect_dma semaphore(%arg23 : memref<!tpu.dma_semaphore, #tpu.memory_space<semaphore_mem>>) src(%dma_wait3A_200 : memref<1000x128xf32, #tpu.memory_space<vmem_shared>>) dst(%arg13 : memref<160x128xf32, #tpu.memory_space<vmem>>)
      %mul3A_201 = arith.constant 160 : i32
      %mul3A_202 = arith.muli %add3A_183, %mul3A_201 : i32
      %multiple_of3A_203 = tpu.assume_multiple %mul3A_202, 160 : i32
      %add3A_204 = arith.addi %mul3A_2, %multiple_of3A_203 : i32
      %dma_start3A_205 = arith.constant 0 : i32
      %dma_start3A_206 = tpu.memref_slice %arg6[%add3A_204, %dma_start3A_205] : memref<204800x128xf32, #tpu.memory_space<hbm>> -> memref<160x128xf32, #tpu.memory_space<hbm>>
      %dma_start3A_207 = arith.constant 0 : i32
      %dma_start3A_208 = tpu.memref_slice %arg6[%add3A_204, %dma_start3A_207] : memref<204800x128xf32, #tpu.memory_space<hbm>> -> memref<160x128xf32, #tpu.memory_space<hbm>>
      tpu.enqueue_dma source(%arg13 : memref<160x128xf32, #tpu.memory_space<vmem>>) target(%dma_start3A_208 : memref<160x128xf32, #tpu.memory_space<hbm>>) target_semaphore(%arg28 : memref<!tpu.dma_semaphore, #tpu.memory_space<semaphore_mem>>)
      %add3A_209 = arith.constant 5 : i32
      %add3A_210 = arith.addi %add3A_183, %add3A_209 : i32
      %sub3A_211 = arith.constant 2 : i32
      %sub3A_212 = arith.subi %add3A_210, %sub3A_211 : i32
      %lt3A_213 = arith.constant 40 : i32
      %lt3A_214 = arith.cmpi slt, %sub3A_212, %lt3A_213 : i32
      %ge3A_215 = arith.constant 2 : i32
      %ge3A_216 = arith.cmpi sge, %add3A_183, %ge3A_215 : i32
      %and3A_217 = arith.andi %lt3A_214, %ge3A_216 : i1
      %convert_element_type3A_218 = arith.extui %and3A_217 : i1 to i32
      %cond3A_219 = arith.constant 0 : i32
      %cond3A_220 = arith.cmpi ne, %convert_element_type3A_218, %cond3A_219 : i32
      scf.if %cond3A_220 {
        %dma_wait3A_272 = arith.constant 0 : i32
        %dma_wait3A_273 = tpu.memref_slice %arg6[%mul3A_2, %dma_wait3A_272] : memref<204800x128xf32, #tpu.memory_space<hbm>> -> memref<160x128xf32, #tpu.memory_space<hbm>>
        %dma_wait3A_274 = arith.constant 0 : i32
        %dma_wait3A_275 = tpu.memref_slice %arg6[%mul3A_2, %dma_wait3A_274] : memref<204800x128xf32, #tpu.memory_space<hbm>> -> memref<160x128xf32, #tpu.memory_space<hbm>>
        tpu.wait_dma2 semaphore(%arg26 : memref<!tpu.dma_semaphore, #tpu.memory_space<semaphore_mem>>) src(%arg11 : memref<160x128xf32, #tpu.memory_space<vmem>>) dst(%dma_wait3A_275 : memref<160x128xf32, #tpu.memory_space<hbm>>)
      } else {
      }
      %lt3A_221 = arith.constant 40 : i32
      %lt3A_222 = arith.cmpi slt, %sub3A_212, %lt3A_221 : i32
      %convert_element_type3A_223 = arith.extui %lt3A_222 : i1 to i32
      %cond3A_224 = arith.constant 0 : i32
      %cond3A_225 = arith.cmpi ne, %convert_element_type3A_223, %cond3A_224 : i32
      scf.if %cond3A_225 {
        %mul3A_272 = arith.constant 160 : i32
        %mul3A_273 = arith.muli %sub3A_212, %mul3A_272 : i32
        %multiple_of3A_274 = tpu.assume_multiple %mul3A_273, 160 : i32
        %dma_start3A_275 = tpu.memref_slice %arg7[%multiple_of3A_274] : memref<6400xi32, #tpu.memory_space<vmem>> -> memref<160xi32, #tpu.memory_space<vmem>>
        %dma_start3A_276 = arith.constant 0 : i32
        %dma_start3A_277 = arith.constant 0 : i32
        %dma_start3A_278 = tpu.memref_slice %arg2[%dma_start3A_276, %dma_start3A_277] : memref<100000x128xf32, #tpu.memory_space<hbm>> -> memref<100000x128xf32, #tpu.memory_space<hbm>>
        tpu.enqueue_indirect_dma source(%dma_start3A_278 : memref<100000x128xf32, #tpu.memory_space<hbm>>) target(%arg11 : memref<160x128xf32, #tpu.memory_space<vmem>>) offsets(%dma_start3A_275 : memref<160xi32, #tpu.memory_space<vmem>>) semaphore(%arg16 : memref<!tpu.dma_semaphore, #tpu.memory_space<semaphore_mem>>)
      } else {
      }
      %mul3A_226 = arith.constant 5 : i32
      %mul3A_227 = arith.muli %scan3A_45, %mul3A_226 : i32
      %add3A_228 = arith.constant 4 : i32
      %add3A_229 = arith.addi %mul3A_227, %add3A_228 : i32
      %dma_wait3A_230 = arith.constant 0 : i32
      %dma_wait3A_231 = tpu.memref_slice %arg7[%dma_wait3A_230] : memref<6400xi32, #tpu.memory_space<vmem>> -> memref<160xi32, #tpu.memory_space<vmem>>
      %dma_wait3A_232 = arith.constant 0 : i32
      %dma_wait3A_233 = arith.constant 0 : i32
      %dma_wait3A_234 = tpu.memref_slice %arg2[%dma_wait3A_232, %dma_wait3A_233] : memref<100000x128xf32, #tpu.memory_space<hbm>> -> memref<100000x128xf32, #tpu.memory_space<hbm>>
      tpu.wait_indirect_dma semaphore(%arg19 : memref<!tpu.dma_semaphore, #tpu.memory_space<semaphore_mem>>) src(%dma_wait3A_234 : memref<100000x128xf32, #tpu.memory_space<hbm>>) dst(%arg14 : memref<160x128xf32, #tpu.memory_space<vmem>>)
      %mul3A_235 = arith.constant 160 : i32
      %mul3A_236 = arith.muli %add3A_229, %mul3A_235 : i32
      %multiple_of3A_237 = tpu.assume_multiple %mul3A_236, 160 : i32
      %dma_start3A_238 = tpu.memref_slice %arg8[%multiple_of3A_237] : memref<6400xi32, #tpu.memory_space<vmem>> -> memref<160xi32, #tpu.memory_space<vmem>>
      %dma_start3A_239 = arith.constant 0 : i32
      %dma_start3A_240 = arith.constant 0 : i32
      %dma_start3A_241 = tpu.memref_slice %arg9[%dma_start3A_239, %dma_start3A_240] : memref<1000x128xf32, #tpu.memory_space<vmem_shared>> -> memref<1000x128xf32, #tpu.memory_space<vmem_shared>>
      tpu.enqueue_indirect_dma source(%dma_start3A_241 : memref<1000x128xf32, #tpu.memory_space<vmem_shared>>) target(%arg14 : memref<160x128xf32, #tpu.memory_space<vmem>>) offsets(%dma_start3A_238 : memref<160xi32, #tpu.memory_space<vmem>>) semaphore(%arg24 : memref<!tpu.dma_semaphore, #tpu.memory_space<semaphore_mem>>) {add = true}
      %dma_wait3A_242 = arith.constant 0 : i32
      %dma_wait3A_243 = tpu.memref_slice %arg8[%dma_wait3A_242] : memref<6400xi32, #tpu.memory_space<vmem>> -> memref<160xi32, #tpu.memory_space<vmem>>
      %dma_wait3A_244 = arith.constant 0 : i32
      %dma_wait3A_245 = arith.constant 0 : i32
      %dma_wait3A_246 = tpu.memref_slice %arg9[%dma_wait3A_244, %dma_wait3A_245] : memref<1000x128xf32, #tpu.memory_space<vmem_shared>> -> memref<1000x128xf32, #tpu.memory_space<vmem_shared>>
      tpu.wait_indirect_dma semaphore(%arg24 : memref<!tpu.dma_semaphore, #tpu.memory_space<semaphore_mem>>) src(%dma_wait3A_246 : memref<1000x128xf32, #tpu.memory_space<vmem_shared>>) dst(%arg14 : memref<160x128xf32, #tpu.memory_space<vmem>>)
      %mul3A_247 = arith.constant 160 : i32
      %mul3A_248 = arith.muli %add3A_229, %mul3A_247 : i32
      %multiple_of3A_249 = tpu.assume_multiple %mul3A_248, 160 : i32
      %add3A_250 = arith.addi %mul3A_2, %multiple_of3A_249 : i32
      %dma_start3A_251 = arith.constant 0 : i32
      %dma_start3A_252 = tpu.memref_slice %arg6[%add3A_250, %dma_start3A_251] : memref<204800x128xf32, #tpu.memory_space<hbm>> -> memref<160x128xf32, #tpu.memory_space<hbm>>
      %dma_start3A_253 = arith.constant 0 : i32
      %dma_start3A_254 = tpu.memref_slice %arg6[%add3A_250, %dma_start3A_253] : memref<204800x128xf32, #tpu.memory_space<hbm>> -> memref<160x128xf32, #tpu.memory_space<hbm>>
      tpu.enqueue_dma source(%arg14 : memref<160x128xf32, #tpu.memory_space<vmem>>) target(%dma_start3A_254 : memref<160x128xf32, #tpu.memory_space<hbm>>) target_semaphore(%arg29 : memref<!tpu.dma_semaphore, #tpu.memory_space<semaphore_mem>>)
      %add3A_255 = arith.constant 5 : i32
      %add3A_256 = arith.addi %add3A_229, %add3A_255 : i32
      %sub3A_257 = arith.constant 2 : i32
      %sub3A_258 = arith.subi %add3A_256, %sub3A_257 : i32
      %lt3A_259 = arith.constant 40 : i32
      %lt3A_260 = arith.cmpi slt, %sub3A_258, %lt3A_259 : i32
      %ge3A_261 = arith.constant 2 : i32
      %ge3A_262 = arith.cmpi sge, %add3A_229, %ge3A_261 : i32
      %and3A_263 = arith.andi %lt3A_260, %ge3A_262 : i1
      %convert_element_type3A_264 = arith.extui %and3A_263 : i1 to i32
      %cond3A_265 = arith.constant 0 : i32
      %cond3A_266 = arith.cmpi ne, %convert_element_type3A_264, %cond3A_265 : i32
      scf.if %cond3A_266 {
        %dma_wait3A_272 = arith.constant 0 : i32
        %dma_wait3A_273 = tpu.memref_slice %arg6[%mul3A_2, %dma_wait3A_272] : memref<204800x128xf32, #tpu.memory_space<hbm>> -> memref<160x128xf32, #tpu.memory_space<hbm>>
        %dma_wait3A_274 = arith.constant 0 : i32
        %dma_wait3A_275 = tpu.memref_slice %arg6[%mul3A_2, %dma_wait3A_274] : memref<204800x128xf32, #tpu.memory_space<hbm>> -> memref<160x128xf32, #tpu.memory_space<hbm>>
        tpu.wait_dma2 semaphore(%arg27 : memref<!tpu.dma_semaphore, #tpu.memory_space<semaphore_mem>>) src(%arg12 : memref<160x128xf32, #tpu.memory_space<vmem>>) dst(%dma_wait3A_275 : memref<160x128xf32, #tpu.memory_space<hbm>>)
      } else {
      }
      %lt3A_267 = arith.constant 40 : i32
      %lt3A_268 = arith.cmpi slt, %sub3A_258, %lt3A_267 : i32
      %convert_element_type3A_269 = arith.extui %lt3A_268 : i1 to i32
      %cond3A_270 = arith.constant 0 : i32
      %cond3A_271 = arith.cmpi ne, %convert_element_type3A_269, %cond3A_270 : i32
      scf.if %cond3A_271 {
        %mul3A_272 = arith.constant 160 : i32
        %mul3A_273 = arith.muli %sub3A_258, %mul3A_272 : i32
        %multiple_of3A_274 = tpu.assume_multiple %mul3A_273, 160 : i32
        %dma_start3A_275 = tpu.memref_slice %arg7[%multiple_of3A_274] : memref<6400xi32, #tpu.memory_space<vmem>> -> memref<160xi32, #tpu.memory_space<vmem>>
        %dma_start3A_276 = arith.constant 0 : i32
        %dma_start3A_277 = arith.constant 0 : i32
        %dma_start3A_278 = tpu.memref_slice %arg2[%dma_start3A_276, %dma_start3A_277] : memref<100000x128xf32, #tpu.memory_space<hbm>> -> memref<100000x128xf32, #tpu.memory_space<hbm>>
        tpu.enqueue_indirect_dma source(%dma_start3A_278 : memref<100000x128xf32, #tpu.memory_space<hbm>>) target(%arg12 : memref<160x128xf32, #tpu.memory_space<vmem>>) offsets(%dma_start3A_275 : memref<160xi32, #tpu.memory_space<vmem>>) semaphore(%arg17 : memref<!tpu.dma_semaphore, #tpu.memory_space<semaphore_mem>>)
      } else {
      }
    }
    %scan3A_25 = arith.constant 8 : i32
    %dma_wait3A = arith.constant 0 : i32
    %dma_wait3A_26 = tpu.memref_slice %arg6[%mul3A_2, %dma_wait3A] : memref<204800x128xf32, #tpu.memory_space<hbm>> -> memref<160x128xf32, #tpu.memory_space<hbm>>
    %dma_wait3A_27 = arith.constant 0 : i32
    %dma_wait3A_28 = tpu.memref_slice %arg6[%mul3A_2, %dma_wait3A_27] : memref<204800x128xf32, #tpu.memory_space<hbm>> -> memref<160x128xf32, #tpu.memory_space<hbm>>
    tpu.wait_dma2 semaphore(%arg25 : memref<!tpu.dma_semaphore, #tpu.memory_space<semaphore_mem>>) src(%arg10 : memref<160x128xf32, #tpu.memory_space<vmem>>) dst(%dma_wait3A_28 : memref<160x128xf32, #tpu.memory_space<hbm>>)
    %dma_wait3A_29 = arith.constant 0 : i32
    %dma_wait3A_30 = tpu.memref_slice %arg6[%mul3A_2, %dma_wait3A_29] : memref<204800x128xf32, #tpu.memory_space<hbm>> -> memref<160x128xf32, #tpu.memory_space<hbm>>
    %dma_wait3A_31 = arith.constant 0 : i32
    %dma_wait3A_32 = tpu.memref_slice %arg6[%mul3A_2, %dma_wait3A_31] : memref<204800x128xf32, #tpu.memory_space<hbm>> -> memref<160x128xf32, #tpu.memory_space<hbm>>
    tpu.wait_dma2 semaphore(%arg26 : memref<!tpu.dma_semaphore, #tpu.memory_space<semaphore_mem>>) src(%arg11 : memref<160x128xf32, #tpu.memory_space<vmem>>) dst(%dma_wait3A_32 : memref<160x128xf32, #tpu.memory_space<hbm>>)
    %dma_wait3A_33 = arith.constant 0 : i32
    %dma_wait3A_34 = tpu.memref_slice %arg6[%mul3A_2, %dma_wait3A_33] : memref<204800x128xf32, #tpu.memory_space<hbm>> -> memref<160x128xf32, #tpu.memory_space<hbm>>
    %dma_wait3A_35 = arith.constant 0 : i32
    %dma_wait3A_36 = tpu.memref_slice %arg6[%mul3A_2, %dma_wait3A_35] : memref<204800x128xf32, #tpu.memory_space<hbm>> -> memref<160x128xf32, #tpu.memory_space<hbm>>
    tpu.wait_dma2 semaphore(%arg27 : memref<!tpu.dma_semaphore, #tpu.memory_space<semaphore_mem>>) src(%arg12 : memref<160x128xf32, #tpu.memory_space<vmem>>) dst(%dma_wait3A_36 : memref<160x128xf32, #tpu.memory_space<hbm>>)
    %dma_wait3A_37 = arith.constant 0 : i32
    %dma_wait3A_38 = tpu.memref_slice %arg6[%mul3A_2, %dma_wait3A_37] : memref<204800x128xf32, #tpu.memory_space<hbm>> -> memref<160x128xf32, #tpu.memory_space<hbm>>
    %dma_wait3A_39 = arith.constant 0 : i32
    %dma_wait3A_40 = tpu.memref_slice %arg6[%mul3A_2, %dma_wait3A_39] : memref<204800x128xf32, #tpu.memory_space<hbm>> -> memref<160x128xf32, #tpu.memory_space<hbm>>
    tpu.wait_dma2 semaphore(%arg28 : memref<!tpu.dma_semaphore, #tpu.memory_space<semaphore_mem>>) src(%arg13 : memref<160x128xf32, #tpu.memory_space<vmem>>) dst(%dma_wait3A_40 : memref<160x128xf32, #tpu.memory_space<hbm>>)
    %dma_wait3A_41 = arith.constant 0 : i32
    %dma_wait3A_42 = tpu.memref_slice %arg6[%mul3A_2, %dma_wait3A_41] : memref<204800x128xf32, #tpu.memory_space<hbm>> -> memref<160x128xf32, #tpu.memory_space<hbm>>
    %dma_wait3A_43 = arith.constant 0 : i32
    %dma_wait3A_44 = tpu.memref_slice %arg6[%mul3A_2, %dma_wait3A_43] : memref<204800x128xf32, #tpu.memory_space<hbm>> -> memref<160x128xf32, #tpu.memory_space<hbm>>
    tpu.wait_dma2 semaphore(%arg29 : memref<!tpu.dma_semaphore, #tpu.memory_space<semaphore_mem>>) src(%arg14 : memref<160x128xf32, #tpu.memory_space<vmem>>) dst(%dma_wait3A_44 : memref<160x128xf32, #tpu.memory_space<hbm>>)
    return
  }
}

module attributes {stable_mosaic.version = 14 : i64} {
  func.func @_transform_body(%arg0: i32, %arg1: memref<10000x128xf32, #tpu.memory_space<vmem>>, %arg2: memref<1000x128xf32, #tpu.memory_space<vmem>>, %arg3: memref<128x256xf32, #tpu.memory_space<vmem>>, %arg4: memref<1x128xf32, #tpu.memory_space<vmem>>, %arg5: memref<10000x128xf32, #tpu.memory_space<vmem>>, %arg6: memref<1000x128xf32, #tpu.memory_space<vmem>>) attributes {dimension_semantics = [#tpu.dimension_semantics<arbitrary>], iteration_bounds = array<i64: 10>, scalar_prefetch = 0 : i64, scratch_operands = 0 : i64, tpu.core_type = #tpu.core_type<tc>, window_params = [{transform_indices = @transform_0, window_bounds = array<i64: 10000, 128>}, {pipeline_mode = #tpu.pipeline_mode<synchronous>, transform_indices = @transform_1, window_bounds = array<i64: 1000, 128>}, {pipeline_mode = #tpu.pipeline_mode<synchronous>, transform_indices = @transform_2, window_bounds = array<i64: 128, 256>}, {pipeline_mode = #tpu.pipeline_mode<synchronous>, transform_indices = @transform_3, window_bounds = array<i64: 1, 128>}, {transform_indices = @transform_4, window_bounds = array<i64: 10000, 128>}, {pipeline_mode = #tpu.pipeline_mode<synchronous>, transform_indices = @transform_5, window_bounds = array<i64: 1000, 128>}]} {
    %get3A = arith.constant 0 : index
    %get3A_0 = arith.constant 0 : index
    %get3A_1 = vector.load %arg3[%get3A, %get3A_0] : memref<128x256xf32, #tpu.memory_space<vmem>>, vector<128x128xf32>
    %get3A_2 = arith.constant 0 : index
    %get3A_3 = arith.constant 0 : index
    %get3A_4 = vector.load %arg1[%get3A_2, %get3A_3] : memref<10000x128xf32, #tpu.memory_space<vmem>>, vector<10000x128xf32>
    %dot_general3A = arith.constant dense<0.000000e+00> : vector<10000x128xf32>
    %dot_general3A_5 = tpu.matmul %get3A_4, %get3A_1, %dot_general3A {dimension_numbers = #tpu.dot_dimension_numbers<[1], [1], [0], [0], [0, 0, 1, 0], [], []>, transpose_lhs_hint = false} : vector<10000x128xf32>, vector<128x128xf32>, vector<10000x128xf32> -> vector<10000x128xf32>
    %swap3A = arith.constant 0 : index
    %swap3A_6 = arith.constant 0 : index
    %swap3A_7 = vector.load %arg5[%swap3A, %swap3A_6] : memref<10000x128xf32, #tpu.memory_space<vmem>>, vector<10000x128xf32>
    tpu.vector_store %arg5[%swap3A, %swap3A_6], %dot_general3A_5 {strides = array<i32>} : memref<10000x128xf32, #tpu.memory_space<vmem>>, vector<10000x128xf32>,
    %eq3A = arith.constant 0 : i32
    %eq3A_8 = arith.cmpi eq, %arg0, %eq3A : i32
    %convert_element_type3A = arith.extui %eq3A_8 : i1 to i32
    %cond3A = arith.constant 0 : i32
    %cond3A_9 = arith.cmpi ne, %convert_element_type3A, %cond3A : i32
    scf.if %cond3A_9 {
      %get3A_10 = arith.constant 0 : index
      %get3A_11 = arith.constant 128 : index
      %get3A_12 = vector.load %arg3[%get3A_10, %get3A_11] : memref<128x256xf32, #tpu.memory_space<vmem>>, vector<128x128xf32>
      %get3A_13 = arith.constant 0 : index
      %get3A_14 = arith.constant 0 : index
      %get3A_15 = vector.load %arg2[%get3A_13, %get3A_14] : memref<1000x128xf32, #tpu.memory_space<vmem>>, vector<1000x128xf32>
      %dot_general3A_16 = arith.constant dense<0.000000e+00> : vector<1000x128xf32>
      %dot_general3A_17 = tpu.matmul %get3A_15, %get3A_12, %dot_general3A_16 {dimension_numbers = #tpu.dot_dimension_numbers<[1], [1], [0], [0], [0, 0, 1, 0], [], []>, transpose_lhs_hint = false} : vector<1000x128xf32>, vector<128x128xf32>, vector<1000x128xf32> -> vector<1000x128xf32>
      %get3A_18 = arith.constant 0 : index
      %get3A_19 = arith.constant 0 : index
      %get3A_20 = vector.load %arg4[%get3A_18, %get3A_19] : memref<1x128xf32, #tpu.memory_space<vmem>>, vector<1x128xf32>
      %add3A = vector.broadcast %get3A_20 : vector<1x128xf32> to vector<1000x128xf32>
      %add3A_21 = arith.addf %dot_general3A_17, %add3A : vector<1000x128xf32>
      %swap3A_22 = arith.constant 0 : index
      %swap3A_23 = arith.constant 0 : index
      %swap3A_24 = vector.load %arg6[%swap3A_22, %swap3A_23] : memref<1000x128xf32, #tpu.memory_space<vmem>>, vector<1000x128xf32>
      tpu.vector_store %arg6[%swap3A_22, %swap3A_23], %add3A_21 {strides = array<i32>} : memref<1000x128xf32, #tpu.memory_space<vmem>>, vector<1000x128xf32>,
    } else {
    }
    return
  }
  func.func @transform_0(%arg0: i32) -> (i32, i32) {
    %c0_i32 = arith.constant 0 : i32
    %c0_i32_0 = arith.constant 0 : i32
    return %arg0, %c0_i32 : i32, i32
  }
  func.func @transform_1(%arg0: i32) -> (i32, i32) {
    %c0_i32 = arith.constant 0 : i32
    %c0_i32_0 = arith.constant 0 : i32
    %c0_i32_1 = arith.constant 0 : i32
    return %c0_i32, %c0_i32_0 : i32, i32
  }
  func.func @transform_2(%arg0: i32) -> (i32, i32) {
    %c0_i32 = arith.constant 0 : i32
    %c0_i32_0 = arith.constant 0 : i32
    %c0_i32_1 = arith.constant 0 : i32
    return %c0_i32, %c0_i32_0 : i32, i32
  }
  func.func @transform_3(%arg0: i32) -> (i32, i32) {
    %c0_i32 = arith.constant 0 : i32
    %c0_i32_0 = arith.constant 0 : i32
    %c0_i32_1 = arith.constant 0 : i32
    return %c0_i32, %c0_i32_0 : i32, i32
  }
  func.func @transform_4(%arg0: i32) -> (i32, i32) {
    %c0_i32 = arith.constant 0 : i32
    %c0_i32_0 = arith.constant 0 : i32
    return %arg0, %c0_i32 : i32, i32
  }
  func.func @transform_5(%arg0: i32) -> (i32, i32) {
    %c0_i32 = arith.constant 0 : i32
    %c0_i32_0 = arith.constant 0 : i32
    %c0_i32_1 = arith.constant 0 : i32
    return %c0_i32, %c0_i32_0 : i32, i32
  }
}

</mosaic_0001>

<sc_bundles>
// kernel: kernel.4.cloned.1.call-start
scs
__scs_entry_jumppad:
0x0: {  	(pc) =	sbr.rel $0x88, $3  }
0x1: {  	(tag) =	ssettag $0x0;
	lr =	simm.s32 $0x1  }
0x2: {  	[smem:$0x3F9B] =	sst lr;
	_ =	strace $0xD0000000  }
0x3: {  	_ = 	snop  }
0x4: {  	_ = 	snop  }
0x5: {  	_ = 	snop  }
0x6: {  	_ = 	snop  }
0x7: {  	_ = 	snop  }
__scs_overlays_trampoline_lowered:
0x8: {  	[smem:$0x3FAA] =	sst s0  }
0x9: {  	[smem:$0x3FAB] =	sst s1  }
0xa: {  	[smem:$0x3FAC] =	sst s2  }
0xb: {  	[smem:$0x3FAD] =	sst s3  }
0xc: {  	[smem:$0x3FAE] =	sst s4  }
0xd: {  	[smem:$0x3FAF] =	sst s5  }
0xe: {  	[smem:$0x3FB0] =	sst s6  }
0xf: {  	[smem:$0x3FB1] =	sst s7  }
0x10: {  	[smem:$0x3FB2] =	sst s8  }
0x11: {  	[smem:$0x3FB3] =	sst s9;
	s0 =	simm.s32 @!p0 $0x0  }
0x12: {  	s1 =	sld [smem:$0x3F99];
	s0 =	simm.s32 @p0 $0x1  }
0x13: {  	[smem:$0x3FB4] =	sst s0;
	s0 =	simm.s32 @!p1 $0x0  }
0x14: {  	s2 =	sld [smem:$0x3F98];
	s0 =	simm.s32 @p1 $0x1  }
0x15: {  	[smem:$0x3FB5] =	sst s0;
	s0 =	simm.s32 @!p2 $0x0  }
0x16: {  	s3 =	sld [smem:$0x3FDB];
	s0 =	simm.s32 @p2 $0x1  }
0x17: {  	s4 =	simm.s32 $0x1BF5;
	[smem:$0x3FB7] =	sst s0  }
0x18: {  	s0 =	sld [smem:$0x3F9A];
	_ =	swait.ge [sflag:s4], $0x0  }
0x19: {  	s7 =	sld [smem:$0x3F9B]  }
0x1a: {  	s8 =	sadd.s32 $0xFFFFE003, lr  }
0x1b: {  	s9 =	sadd.s32 $0xFFFFFEF7, lr;
	s5 =	simm.s32 $0xFFFFFFFF;
	p2 =	slt.u32 s8, $0xFFFFF086  }
0x1c: {  	p1 =	slt.u32 s9, $0xF7A;
	s5 =	simm.s32 @!p2 $0x0  }
0x1d: {  	s5 =	simm.s32 @p1 $0x1;
	p0 =	seq.s32 s7, s2  }
0x1e: {  	s7 =	smul.u32 @!p0 $0xF7A, s2;
	p2 =	seq.s32 @!p0 s5, $0x0  }
0x1f: {  	s9 =	smul.u32 $0xF7A, s1;
	s8 =	simm.s32 @!p0 $0x1BF5;
	p2 =	por !p2, p0  }
0x20: {  	[sflag:s8] =	ssyncset.s32 @!p0 $0xFFFFF086;
	s6 =	sadd.s32 @!p0 s3, s7;
	s7 =	simm.s32 @!p0 $0x108  }
0x21: {  	s3 =	sadd.s32 s3, s9;
	s6 =	sadd.s32 @!p0 $0x88, s6;
	s7 =	simm.s32 @p2 $0x1082  }
0x22: {  	[simem:s7], [sflag:s8] =	dma.local @!p0 [hbm:s6], $0xF7A  }
0x23: {  	s9 =	sor.u32 $0xD0000000, s2;
	s6 =	simm.s32 $0x108;
	_ =	swait.ge @!p0 [sflag:s8], $0x0  }
0x24: {  	s3 =	sadd.s32 $0x88, s3;
	s6 =	simm.s32 @!p1 $0x1082;
	[sflag:s4] =	ssyncset.s32 $0xFFFFF086  }
0x25: {  	[simem:s6], [sflag:s4] =	dma.local [hbm:s3], $0xF7A  }
0x26: {  	[smem:$0x3F9B] =	sst s1;
	(tag) =	ssettag s2;
	_ =	strace s9  }
0x27: {  	s1 =	sld [smem:$0x3FAB]  }
0x28: {  	s2 =	sld [smem:$0x3FAC]  }
0x29: {  	s4 =	sld [smem:$0x3FAE]  }
0x2a: {  	p0 =	seq.s32 s5, $0x0;
	s5 =	sld [smem:$0x3FAF]  }
0x2b: {  	s6 =	sld [smem:$0x3FB0]  }
0x2c: {  	s7 =	sld [smem:$0x3FB1]  }
0x2d: {  	s3 =	simm.s32 $0x108;
	s8 =	sld [smem:$0x3FB2]  }
0x2e: {  	s3 =	simm.s32 @!p0 $0x1082;
	s9 =	sld [smem:$0x3FB3]  }
0x2f: {  	lr =	sadd.s32 s0, s3;
	s0 =	sld [smem:$0x3FAA]  }
0x30: {  	s3 =	sld [smem:$0x3FAD]  }
0x31: {  	[smem:$0x3FB6] =	sst s10  }
0x32: {  	s10 =	sld [smem:$0x3FB4];
	_ =	sdelay $0x3  }
0x33: {  	p0 =	seq.s32 s10, $0x1;
	s10 =	sld [smem:$0x3FB6];
	_ =	sdelay $0x3  }
0x34: {  	[smem:$0x3FB6] =	sst s10  }
0x35: {  	s10 =	sld [smem:$0x3FB5];
	_ =	sdelay $0x3  }
0x36: {  	p1 =	seq.s32 s10, $0x1;
	s10 =	sld [smem:$0x3FB6];
	_ =	sdelay $0x3  }
0x37: {  	[smem:$0x3FB6] =	sst s10  }
0x38: {  	s10 =	sld [smem:$0x3FB7]  }
0x39: {  	_ = 	snop;
	(pc) =	sbr.ind lr, $3  }
0x3a: {  	_ = 	snop  }
0x3b: {  	_ = 	snop  }
0x3c: {  	p2 =	seq.s32 s10, $0x1;
	s10 =	sld [smem:$0x3FB6]  }
0x3d: {  	_ =	shalt  }
0x3e: {  	_ =	shalt  }
0x3f: {  	_ =	shalt  }
0x40: {  	_ =	shalt  }
0x41: {  	_ =	shalt  }
0x42: {  	_ =	shalt  }
0x43: {  	_ =	shalt  }
0x44: {  	_ =	shalt  }
0x45: {  	_ =	shalt  }
0x46: {  	_ =	shalt  }
0x47: {  	_ =	shalt  }
0x48: {  	_ =	shalt  }
0x49: {  	_ =	shalt  }
0x4a: {  	_ =	shalt  }
0x4b: {  	_ =	shalt  }
0x4c: {  	_ =	shalt  }
0x4d: {  	_ =	shalt  }
0x4e: {  	_ =	shalt  }
0x4f: {  	_ =	shalt  }
0x50: {  	_ =	shalt  }
0x51: {  	_ =	shalt  }
0x52: {  	_ =	shalt  }
0x53: {  	_ =	shalt  }
0x54: {  	_ =	shalt  }
0x55: {  	_ =	shalt  }
0x56: {  	_ =	shalt  }
0x57: {  	_ =	shalt  }
0x58: {  	_ =	shalt  }
0x59: {  	_ =	shalt  }
0x5a: {  	_ =	shalt  }
0x5b: {  	_ =	shalt  }
0x5c: {  	_ =	shalt  }
0x5d: {  	_ =	shalt  }
0x5e: {  	_ =	shalt  }
0x5f: {  	_ =	shalt  }
0x60: {  	_ =	shalt  }
0x61: {  	_ =	shalt  }
0x62: {  	_ =	shalt  }
0x63: {  	_ =	shalt  }
0x64: {  	_ =	shalt  }
0x65: {  	_ =	shalt  }
0x66: {  	_ =	shalt  }
0x67: {  	_ =	shalt  }
0x68: {  	_ =	shalt  }
0x69: {  	_ =	shalt  }
0x6a: {  	_ =	shalt  }
0x6b: {  	_ =	shalt  }
0x6c: {  	_ =	shalt  }
0x6d: {  	_ =	shalt  }
0x6e: {  	_ =	shalt  }
0x6f: {  	_ =	shalt  }
0x70: {  	_ =	shalt  }
0x71: {  	_ =	shalt  }
0x72: {  	_ =	shalt  }
0x73: {  	_ =	shalt  }
0x74: {  	_ =	shalt  }
0x75: {  	_ =	shalt  }
0x76: {  	_ =	shalt  }
0x77: {  	_ =	shalt  }
0x78: {  	_ =	shalt  }
0x79: {  	_ =	shalt  }
0x7a: {  	_ =	shalt  }
0x7b: {  	_ =	shalt  }
0x7c: {  	_ =	shalt  }
0x7d: {  	_ =	shalt  }
0x7e: {  	_ =	shalt  }
0x7f: {  	_ =	shalt  }
0x80: {  	_ =	shalt  }
0x81: {  	_ =	shalt  }
0x82: {  	_ =	shalt  }
0x83: {  	_ =	shalt  }
0x84: {  	_ =	shalt  }
0x85: {  	_ =	shalt  }
0x86: {  	_ =	shalt  }
0x87: {  	_ =	shalt  }
.Lfunc_end0:
.L_simem_size_0:
called_computation_lowered:
.L_overlay_start_0:
0x88: {  	s2 =	sld [smem:$0x3FD9]  }
0x89: {  	s3 =	sld [smem:$0x3FFE];
	_ =	sdelay $0x1  }
0x8a: {  	s1 =	srdreg.scid  }
0x8b: {  	s0 =	sand.u32 $0x1, s1  }
0x8c: {  	s17 =	sshll.u32 s0, $0xA;
	s2 =	sadd.s32 s3, s2  }
0x8d: {  	s2 =	sadd.s32 s2, s17  }
0x8e: {  	[smem:$0x3FC2] =	sst s2  }
0x8f: {  	_ = 	snop  }
0x90: {  	s2 =	sld [smem:$0x3FD0];
	(tm) =	ssettm $0x1  }
0x91: {  	s18 =	sld [smem:$0x3FFB];
	_ =	sdelay $0x3  }
0x92: {  	_ =	strace s18  }
0x93: {  	s3 =	sld [smem:$0x3FFC];
	_ =	sdelay $0x3  }
0x94: {  	_ =	strace s3  }
0x95: {  	s3 =	sld [smem:$0x3FFD];
	_ =	sdelay $0x3  }
0x96: {  	_ =	strace s3  }
0x97: {  	_ =	strace $0x8FFFFFFF  }
0x98: {  	s19 =	sld [smem:$0x3FDB];
	_ =	sdelay $0x1  }
0x99: {  	s4 =	simm.s32 $_scs_section_size  }
0x9a: {  	s5 =	simm.s32 $_size__tile_overlayer_lowered;
	s6 =	simm.s32 $_tile_overlayer_lowered  }
0x9b: {  	s22 =	simm.s32 $0x1BFF;
	s21 =	sshll.u32 s6, $0x1;
	s3 =	sadd.s32 s4, s19  }
0x9c: {  	s7 =	simm.s32 $0x0;
	s20 =	sshll.u32 s5, $0x1;
	s5 =	sadd.s32 s21, s3  }
0x9d: {  	[timem:s7], [sflag:s22] =	dma.local [hbm:s5], s20  }
0x9e: {  	_ =	swait.ge [sflag:s22], s20  }
0x9f: {  	s4 =	ssub.s32 $0x0, s20;
	[sflag:s22] =	ssyncset.done $0x0  }
0xa0: {  	[sflag:s22] =	ssyncadd.s32 s4;
	_ =	sdelay $0x1  }
0xa1: {  	s23 =	simm.s32 $0x1B8B  }
0xa2: {  	_ =	swait.ge [sflag:s23], $0x1  }
0xa3: {  	[sflag:s23] =	ssyncset.done $0x0  }
0xa4: {  	s25 =	simm.s32 $0x1B8E;
	s24 =	sld [smem:$0x3FFE];
	[sflag:s23] =	ssyncadd.s32 $0xFFFFFFFF  }
0xa5: {  	s26 =	simm.s32 $execute0_lowered;
	[smem:$0x3FD2] =	sst s25  }
0xa6: {  	s5 =	sshll.u32 s26, $0x1;
	_ =	strace $0x80000046;
	[dreg:$0x1] =	wrdreg $0xFFFFFFFF  }
0xa7: {  	s28 =	simm.s32 $_size_execute0_lowered;
	s3 =	sadd.s32 s3, s5;
	[dreg:$0x0] =	wrdreg $0x0  }
0xa8: {  	s5 =	sshll.u32 s28, $0x1;
	[dreg:$0x2] =	wrdreg s3  }
0xa9: {  	[dreg:$0x3] =	wrdreg s5  }
0xaa: {  	[dreg:$0x4] =	wrdreg $0xC0  }
0xab: {  	_ =	task [dreg:s7], $0x5FFFF  }
0xac: {  	[dreg:$0x1] =	wrdreg $0xFFFFFFFF  }
0xad: {  	[dreg:$0x0] =	wrdreg $0x60  }
0xae: {  	[dreg:$0x2] =	wrdreg s24  }
0xaf: {  	[dreg:$0x3] =	wrdreg s2  }
0xb0: {  	[dreg:$0x4] =	wrdreg $0x32000  }
0xb1: {  	[dreg:$0x5] =	wrdreg $0x9  }
0xb2: {  	_ =	task.clear_ibuf [dreg:s7], $0x6FFFF;
	_ =	strace $0x90000046  }
0xb3: {  	s29 =	simm.s32 $0x9;
	_ =	strace $0x80000048  }
0xb4: {  	_ =	swait.ge [sflag:s29], $0x1  }
0xb5: {  	[sflag:s29] =	ssyncadd.s32 $0xFFFFFFFF  }
0xb6: {  	_ =	strace $0x90000048  }
0xb7: {  	_ =	sfence  }
0xb8: {  	s30 =	sld [smem:$0x0];
	_ =	sdelay $0x2  }
0xb9: {  	s31 =	sshll.u32 s1, $0xD;
	s1 =	sshrl.u32 s1, $0x2  }
0xba: {  	s3 =	sand.u32 $0x4000, s31;
	s1 =	sadd.s32 s1, s30  }
0xbb: {  	s0 =	sor.u32 s3, s0;
	s1 =	sshll.u32 s1, $0x11  }
0xbc: {  	s0 =	sor.u32 s1, s0  }
0xbd: {  	s0 =	sadd.s32 $0x8F2B, s0  }
0xbe: {  	[sflag:s0] =	ssyncadd.remote.s32 $0x1  }
0xbf: {  	_ =	sfence.sel $0xFFFF  }
0xc0: {  	[dreg:$0x0] =	wrdreg $0xFFFFFFFF;
	(pc) =	sbr.abs _section_cstart, $3  }
0xc1: {  	[dreg:$0x1] =	wrdreg $0xFFFFFFFF  }
0xc2: {  	_ =	task.clear_ibuf [dreg:s7], $0x2FFFF;
	_ =	strace $0x9FFFFFFF  }
0xc3: {  	(tm) =	ssettm $0x7FFFFFFF  }
tec
execute0_lowered:
.L_overlay_start_1:
0x0: {  	(tag) =	ssettag $0x1  }
0x1: {  	s0 =	rddreg [dreg:$0x0]  }
0x2: {  	s4 =	rddreg [dreg:$0x1]  }
0x3: {  	s1 =	rddreg [dreg:$0x2]  }
0x4: {  	s3 =	srdreg.scid;
	s5 =	stileid.u32;
	s2 =	simm.s32 $0x0  }
0x5: {  	s12 =	simm.s32 $0xA0;
	s13 =	simm.s32 $0x5140;
	s14 =	simm.s32 $0xA140  }
0x6: {  	s16 =	simm.s32 $0xF140;
	s17 =	simm.s32 $0x1;
	s18 =	simm.s32 $0x6  }
0x7: {  	s19 =	simm.s32 $0x14140;
	s20 =	simm.s32 $0x2;
	s21 =	simm.s32 $0x7  }
0x8: {  	s22 =	simm.s32 $0x19140;
	s28 =	simm.s32 $0x5;
	s29 =	simm.s32 $0xA  }
0x9: {  	s11 =	simm.s32 $0xE;
	s15 =	simm.s32 $0xF;
	s6 =	sand.u32 $0x1, s3  }
0xa: {  	s23 =	sshll.u32 s5, $0x1;
	[smem:$0x7FF] =	sst s2;
	s8 =	sadd.s32 $0x194000, s0  }
0xb: {  	s10 =	smul.u32 $0x32000, s5;
	p0 =	sne.s32 s5, $0x0;
	s3 =	sor.u32 s6, s23  }
0xc: {  	_ =	strace $0x80000047;
	s24 =	ssub.s32 $0x2, s6;
	s6 =	smul.u32 $0x19000, s6  }
0xd: {  	[dreg:$0x4] =	wrdreg s8;
	s7 =	smul.u32 $0x1900, s3;
	s9 =	sshrl.u32 s24, $0x1  }
0xe: {  	s23 =	simm.s32 $0x3;
	s3 =	sadd.s32 $0xD600, s0;
	s25 =	ssub.s32 s24, s9  }
0xf: {  	s30 =	sadd.s32 s10, s4;
	s7 =	sshrl.u32 s7, $0x3;
	s31 =	smax.u32 s25, $0x1  }
0x10: {  	s10 =	simm.s32 $0x10;
	s0 =	sadd.s32 s7, s0;
	[dreg:$0x7] =	wrdreg s31  }
.Ltmp0:
0x11: {  	s26 =	sadd.s32 $0xE00, s0;
	s0 =	sadd.s32 $0x7200, s0;
	(pc) =	sbr.rel .LBB2_1-.Ltmp0, $4  }
0x12: {  	s4 =	simm.s32 $0x0;
	[dreg:$0x6] =	wrdreg s0;
	s0 =	sadd.s32 s6, s30  }
0x13: {  	s24 =	simm.s32 $0x8;
	[dreg:$0x5] =	wrdreg s26;
	s0 =	sadd.s32 $0x1400, s0  }
0x14: {  	s25 =	simm.s32 $0x4;
	[dreg:$0x8] =	wrdreg s0;
	s0 =	sshrl.u32 @!p0 s1, $0x3  }
0x15: {  	s26 =	simm.s32 $0x9;
	[dreg:$0x9] =	wrdreg s0;
	s0 =	simm.s32 $0xD  }
.LBB2_4:
0x16: {  	s5 =	simm.s32 $0xB  }
0x17: {  	_ =	swait.ge [sflag:s5], $0x5000  }
0x18: {  	[sflag:s5] =	ssyncset.done $0x0  }
0x19: {  	s30 =	simm.s32 $0xC;
	[sflag:s5] =	ssyncadd.s32 $0xFFFFB000  }
0x1a: {  	_ =	swait.ge [sflag:s30], $0x5000  }
0x1b: {  	[sflag:s30] =	ssyncset.done $0x0  }
0x1c: {  	[sflag:s30] =	ssyncadd.s32 $0xFFFFB000  }
0x1d: {  	_ =	swait.ge [sflag:s0], $0x5000  }
0x1e: {  	[sflag:s0] =	ssyncset.done $0x0  }
0x1f: {  	[sflag:s0] =	ssyncadd.s32 $0xFFFFB000  }
0x20: {  	_ =	swait.ge [sflag:s11], $0x5000  }
0x21: {  	[sflag:s11] =	ssyncset.done $0x0  }
0x22: {  	[sflag:s11] =	ssyncadd.s32 $0xFFFFB000  }
0x23: {  	_ =	swait.ge [sflag:s15], $0x5000  }
0x24: {  	s4 =	sadd.s32 $0x1, s4;
	s31 =	rddreg [dreg:$0x7]  }
0x25: {  	p1 =	sne.s32 s4, s31  }
.Ltmp1:
0x26: {  	_ = 	snop;
	(pc) =	sbr.rel @!p1 .LBB2_5-.Ltmp1, $3  }
0x27: {  	_ =	sdelay $0x1  }
0x28: {  	[sflag:s15] =	ssyncset.done $0x0  }
0x29: {  	[sflag:s15] =	ssyncadd.s32 $0xFFFFB000  }
.LBB2_1:
0x2a: {  	s5 =	rddreg [dreg:$0x4]  }
0x2b: {  	s6 =	simm.s32 @!p0 $0x1C10;
	s7 =	rddreg [dreg:$0x9]  }
0x2c: {  	[spmem:s7], [sflag:s6] =	dma.local @!p0 [hbm:s5], $0x3E80  }
0x2d: {  	s6 =	simm.s32 @!p0 $0x10  }
0x2e: {  	_ =	swait.ge @!p0 [sflag:s6], $0x3E80  }
0x2f: {  	[sflag:s6] =	ssyncset.done @!p0 $0x0  }
0x30: {  	s8 =	rddreg [dreg:$0x5];
	[sflag:s6] =	ssyncadd.s32 @!p0 $0xFFFFC180  }
0x31: {  	[tilespmem:s2], [sflag:$0x10] =	stream.linear.gather [hbm4b:s8+s2], $0x1900, $0x38;
	[tilespmem:$0x1E140] =	vst v63  }
0x32: {  	_ =	swait.ge [sflag:s10], $0x1900  }
0x33: {  	[sflag:s10] =	ssyncset.done $0x0  }
0x34: {  	s30 =	simm.s32 $0x1900;
	s9 =	rddreg [dreg:$0x6];
	[sflag:s10] =	ssyncadd.s32 $0xFFFFE700  }
0x35: {  	[tilespmem:s30], [sflag:$0x10] =	stream.linear.gather [hbm4b:s9+s2], $0x1900, $0x38;
	[tilespmem:$0x1E140] =	vst v63  }
0x36: {  	_ =	swait.ge [sflag:s10], $0x1900  }
0x37: {  	[sflag:s10] =	ssyncset.done $0x0  }
0x38: {  	[sflag:s10] =	ssyncadd.s32 $0xFFFFE700  }
0x39: {  	[bflag:$0x0] =	sbarrier.arrive $0xFFFF  }
0x3a: {  	[tilespmem:s13], [sflag:$0x1] =	stream.indirect.gather [hbm4b:s3+s12], $0x80, s2, s12, $0xb8;
	[tilespmem:$0x1E140] =	vst v63  }
0x3b: {  	_ = 	snop  }
0x3c: {  	[tilespmem:s14], [sflag:$0x2] =	stream.indirect.gather [hbm4b:s3+s12], $0x80, s12, s12, $0xb8;
	[tilespmem:$0x1E140] =	vst v63  }
0x3d: {  	s31 =	simm.s32 $0x140;
	s6 =	simm.s32 $0x0;
	s8 =	rddreg [dreg:$0x8]  }
0x3e: {  	[tilespmem:s16], [sflag:$0x3] =	stream.indirect.gather [hbm4b:s3+s12], $0x80, s31, s12, $0xb8;
	[tilespmem:$0x1E140] =	vst v63  }
.LBB2_2:
0x3f: {  	_ =	swait.ge [sflag:s17], $0x5000  }
0x40: {  	s7 =	sshra.s32 s6, $0x2;
	[sflag:s17] =	ssyncset.done $0x0  }
0x41: {  	s9 =	sadd.s32 $0x1900, s7;
	[sflag:s17] =	ssyncadd.s32 $0xFFFFB000  }
0x42: {  	[tilespmem:s13], [sflag:$0x6] =	stream.indirect.gather.add.f32 [spmem:s1], $0x80, s9, s12, $0xb8;
	[tilespmem:$0x1E140] =	vst v63  }
0x43: {  	_ =	swait.ge [sflag:s18], $0x5000  }
0x44: {  	p1 =	seq.s32 s6, $0x0;
	[sflag:s18] =	ssyncset.done $0x0  }
0x45: {  	s31 =	sadd.s32 $0xFFFFEC00, s8;
	s9 =	simm.s32 @!p1 $0xE;
	[sflag:s18] =	ssyncadd.s32 $0xFFFFB000  }
0x46: {  	[hbm4b:s31+s2] =	stream.linear.scatter [tilespmem:s13], [sflag:$0xB], $0x5000, $0x38;
	[tilespmem:$0x1E140] =	vst v63  }
0x47: {  	_ =	swait.ge @!p1 [sflag:s9], $0x5000  }
0x48: {  	[sflag:s9] =	ssyncset.done @!p1 $0x0  }
0x49: {  	s5 =	sadd.s32 $0x1E0, s7;
	[sflag:s9] =	ssyncadd.s32 @!p1 $0xFFFFB000  }
0x4a: {  	[tilespmem:s19], [sflag:$0x4] =	stream.indirect.gather [hbm4b:s3+s12], $0x80, s5, s12, $0xb8;
	[tilespmem:$0x1E140] =	vst v63  }
0x4b: {  	_ =	swait.ge [sflag:s20], $0x5000  }
0x4c: {  	[sflag:s20] =	ssyncset.done $0x0  }
0x4d: {  	s30 =	sadd.s32 $0x19A0, s7;
	[sflag:s20] =	ssyncadd.s32 $0xFFFFB000  }
0x4e: {  	[tilespmem:s14], [sflag:$0x7] =	stream.indirect.gather.add.f32 [spmem:s1], $0x80, s30, s12, $0xb8;
	[tilespmem:$0x1E140] =	vst v63  }
0x4f: {  	_ =	swait.ge [sflag:s21], $0x5000  }
0x50: {  	[sflag:s21] =	ssyncset.done $0x0  }
0x51: {  	s31 =	sadd.s32 $0xFFFFF600, s8;
	s9 =	simm.s32 @!p1 $0xF;
	[sflag:s21] =	ssyncadd.s32 $0xFFFFB000  }
0x52: {  	[hbm4b:s31+s2] =	stream.linear.scatter [tilespmem:s14], [sflag:$0xC], $0x5000, $0x38;
	[tilespmem:$0x1E140] =	vst v63  }
0x53: {  	_ =	swait.ge @!p1 [sflag:s9], $0x5000  }
0x54: {  	[sflag:s9] =	ssyncset.done @!p1 $0x0  }
0x55: {  	s5 =	sadd.s32 $0x280, s7;
	[sflag:s9] =	ssyncadd.s32 @!p1 $0xFFFFB000  }
0x56: {  	[tilespmem:s22], [sflag:$0x5] =	stream.indirect.gather [hbm4b:s3+s12], $0x80, s5, s12, $0xb8;
	[tilespmem:$0x1E140] =	vst v63  }
0x57: {  	_ =	swait.ge [sflag:s23], $0x5000  }
0x58: {  	[sflag:s23] =	ssyncset.done $0x0  }
0x59: {  	s30 =	sadd.s32 $0x1A40, s7;
	[sflag:s23] =	ssyncadd.s32 $0xFFFFB000  }
0x5a: {  	[tilespmem:s16], [sflag:$0x8] =	stream.indirect.gather.add.f32 [spmem:s1], $0x80, s30, s12, $0xb8;
	[tilespmem:$0x1E140] =	vst v63  }
0x5b: {  	_ =	swait.ge [sflag:s24], $0x5000  }
0x5c: {  	p1 =	seq.s32 s6, $0x5780;
	[sflag:s24] =	ssyncset.done $0x0  }
0x5d: {  	s9 =	simm.s32 @!p1 $0xB;
	[sflag:s24] =	ssyncadd.s32 $0xFFFFB000  }
0x5e: {  	[hbm4b:s8+s2] =	stream.linear.scatter [tilespmem:s16], [sflag:$0xD], $0x5000, $0x38;
	[tilespmem:$0x1E140] =	vst v63  }
0x5f: {  	_ =	swait.ge @!p1 [sflag:s9], $0x5000  }
0x60: {  	[sflag:s9] =	ssyncset.done @!p1 $0x0  }
0x61: {  	[sflag:s9] =	ssyncadd.s32 @!p1 $0xFFFFB000;
	s9 =	sshra.s32 @!p1 s6, $0x2  }
0x62: {  	s31 =	simm.s32 @!p1 $0x5140;
	s30 =	simm.s32 @!p1 $0xA0;
	s5 =	sadd.s32 @!p1 $0x320, s9  }
0x63: {  	[tilespmem:s31], [sflag:$0x1] =	stream.indirect.gather @!p1 [hbm4b:s3+s30], $0x80, s5, s30, $0xb8;
	[tilespmem:$0x1E140] =	vst v63  }
0x64: {  	_ =	swait.ge [sflag:s25], $0x5000  }
0x65: {  	[sflag:s25] =	ssyncset.done $0x0  }
0x66: {  	s31 =	sadd.s32 $0x1AE0, s7;
	[sflag:s25] =	ssyncadd.s32 $0xFFFFB000  }
0x67: {  	[tilespmem:s19], [sflag:$0x9] =	stream.indirect.gather.add.f32 [spmem:s1], $0x80, s31, s12, $0xb8;
	[tilespmem:$0x1E140] =	vst v63  }
0x68: {  	_ =	swait.ge [sflag:s26], $0x5000  }
0x69: {  	[sflag:s26] =	ssyncset.done $0x0  }
0x6a: {  	s5 =	simm.s32 @!p1 $0xC;
	s31 =	sadd.s32 $0xA00, s8;
	[sflag:s26] =	ssyncadd.s32 $0xFFFFB000  }
0x6b: {  	[hbm4b:s31+s2] =	stream.linear.scatter [tilespmem:s19], [sflag:$0xE], $0x5000, $0x38;
	[tilespmem:$0x1E140] =	vst v63  }
0x6c: {  	_ =	swait.ge @!p1 [sflag:s5], $0x5000  }
0x6d: {  	[sflag:s5] =	ssyncset.done @!p1 $0x0  }
0x6e: {  	[sflag:s5] =	ssyncadd.s32 @!p1 $0xFFFFB000;
	s5 =	sadd.s32 @!p1 $0x3C0, s9;
	s9 =	simm.s32 @!p1 $0xA140  }
0x6f: {  	[tilespmem:s9], [sflag:$0x2] =	stream.indirect.gather @!p1 [hbm4b:s3+s30], $0x80, s5, s30, $0xb8;
	[tilespmem:$0x1E140] =	vst v63  }
0x70: {  	_ =	swait.ge [sflag:s28], $0x5000  }
0x71: {  	[sflag:s28] =	ssyncset.done $0x0  }
0x72: {  	s30 =	sadd.s32 $0x1B80, s7;
	[sflag:s28] =	ssyncadd.s32 $0xFFFFB000  }
0x73: {  	[tilespmem:s22], [sflag:$0xA] =	stream.indirect.gather.add.f32 [spmem:s1], $0x80, s30, s12, $0xb8;
	[tilespmem:$0x1E140] =	vst v63  }
.Ltmp2:
0x74: {  	_ = 	snop;
	(pc) =	sbr.rel @p1 .LBB2_4-.Ltmp2, $4  }
0x75: {  	_ =	swait.ge [sflag:s29], $0x5000  }
0x76: {  	[sflag:s29] =	ssyncset.done $0x0  }
0x77: {  	s31 =	sadd.s32 $0x1400, s8;
	[sflag:s29] =	ssyncadd.s32 $0xFFFFB000  }
0x78: {  	[hbm4b:s31+s2] =	stream.linear.scatter [tilespmem:s22], [sflag:$0xF], $0x5000, $0x38;
	[tilespmem:$0x1E140] =	vst v63  }
.Ltmp3:
0x79: {  	(pc) =	sbr.rel .LBB2_2-.Ltmp3, $4  }
0x7a: {  	_ =	swait.ge [sflag:s0], $0x5000  }
0x7b: {  	s5 =	sadd.s32 $0x460, s7;
	[sflag:s0] =	ssyncset.done $0x0  }
0x7c: {  	s6 =	sadd.s32 $0xC80, s6;
	s8 =	sadd.s32 $0x3200, s8;
	[sflag:s0] =	ssyncadd.s32 $0xFFFFB000  }
0x7d: {  	[tilespmem:s16], [sflag:$0x3] =	stream.indirect.gather [hbm4b:s3+s12], $0x80, s5, s12, $0xb8;
	[tilespmem:$0x1E140] =	vst v63  }
.LBB2_5:
0x7e: {  	_ =	sfence.sel $0x180000  }
0x7f: {  	[bflag:$0x0] =	sbarrier.arrive $0xFFFF  }
0x80: {  	_ =	strace $0x90000047  }
0x81: {  	[bflag:$0x2] =	sbarrier.arrive $0xFFFF  }
0x82: {  	s0 =	rddreg [dreg:$0x3]  }
0x83: {  	s0 =	sadd.s32 @!p0 $0x100000, s0  }
0x84: {  	[sflag:s0] =	ssyncadd.tile.s32 @!p0 $0x1;
	_ =	shalt  }
.Lfunc_end2:
_tile_overlayer_lowered:
.L_overlay_start_2:
0x85: {  	(tag) =	ssettag $0x2  }
0x86: {  	s0 =	rddreg [dreg:$0x0];
	s2 =	stileid.u32  }
0x87: {  	s1 =	rddreg [dreg:$0x1];
	p0 =	sne.s32 s2, $0x0  }
0x88: {  	s3 =	rddreg [dreg:$0x2];
	[bflag:$0x3] =	sbarrier.arrive $0xFFFF;
	s2 =	simm.s32 @!p0 $0x1C10  }
0x89: {  	[timem:s3], [sflag:s2] =	dma.local @!p0 [hbm:s0], s1  }
0x8a: {  	s0 =	simm.s32 @!p0 $0x10  }
0x8b: {  	_ =	swait.ge @!p0 [sflag:s0], s1  }
0x8c: {  	s1 =	ssub.s32 @!p0 $0x0, s1;
	[sflag:s0] =	ssyncset.done @!p0 $0x0  }
0x8d: {  	[sflag:s0] =	ssyncadd.s32 @!p0 s1  }
0x8e: {  	[bflag:$0x3] =	sbarrier.arrive $0xFFFF  }
0x8f: {  	_ =	shalt  }

</sc_bundles>
